<compile_context>
chip_gen: v7x
topology: tpu7x:2x2x1
jax: 0.10.2.dev20260603
libtpu: 0.0.44.dev20260713+nightly
codegen_flags: <defaults>
</compile_context>

<pallas_src>
import functools

import jax
import jax.numpy as jnp
import numpy as np
from jax import lax
from jax.experimental import pallas as pl
from jax.experimental.pallas import tpu as pltpu
from jax.experimental.pallas import tpu_sc as plsc

_B, _C, _H, _W = 8, 3, 384, 512
_LANES = 16
_GROUPS = (_B * _H) // _LANES
_GROUPS_PER_B = _H // _LANES
_GSZ = _W * _LANES
_IMSZ = _C * _GSZ
_NWORKERS = 32
_GPW = _GROUPS // _NWORKERS
_EPS = 1e-6
_LN_BASE = float(np.log(1.414))
_MAGIC = float(1.5 * (2 ** 23))


def _warp_body(im_hbm, disp_hbm, res_hbm, occ_hbm, disp_v, im_v, racc, macc,
               oacc):
    nc = 2
    wid = lax.axis_index("s") * nc + lax.axis_index("c")

    lane = lax.iota(jnp.int32, _LANES)
    lane_w = lane * _W
    zeros = jnp.zeros((_LANES,), jnp.float32)
    ones = jnp.ones((_LANES,), jnp.float32)

    def zero_body(i, _):
        for u in range(4):
            b = (i * 4 + u) * _LANES
            macc[pl.ds(b, _LANES)] = zeros
            oacc[pl.ds(b, _LANES)] = zeros
            for c in range(_C):
                racc[pl.ds(c * _GSZ + b, _LANES)] = zeros
        return 0

    lax.fori_loop(0, _W // 4, zero_body, 0)

    def group_body(k, _):
        g = wid * _GPW + k
        b = g // _GROUPS_PER_B
        im_base = b * (_C * _GROUPS_PER_B * _GSZ) + (g % _GROUPS_PER_B) * _GSZ

        pltpu.sync_copy(disp_hbm.at[pl.ds(g * _GSZ, _GSZ)], disp_v)
        for c in range(_C):
            pltpu.sync_copy(
                im_hbm.at[pl.ds(im_base + c * (_GROUPS_PER_B * _GSZ), _GSZ)],
                im_v.at[pl.ds(c * _GSZ, _GSZ)])

        def acc_body(xi, _):
            for u in range(4):
                x = xi * 4 + u
                xcol = (lane + x) & (_W - 1)
                gidx = lane_w + xcol
                d = plsc.load_gather(disp_v, [gidx])
                xf = xcol.astype(jnp.float32)
                tr = ((xf - d) + _MAGIC) - _MAGIC
                valid = tr >= 0.0
                ti = jnp.maximum(tr.astype(jnp.int32), 0)
                w = jnp.exp(d * _LN_BASE)
                didx = ti * _LANES + lane
                plsc.addupdate_scatter(macc, [didx], w, mask=valid)
                plsc.addupdate_scatter(oacc, [didx], ones, mask=valid)
                for c in range(_C):
                    v = plsc.load_gather(im_v, [gidx + c * _GSZ]) * w
                    plsc.addupdate_scatter(racc, [didx + c * _GSZ], v,
                                           mask=valid)
            return 0

        lax.fori_loop(0, _W // 4, acc_body, 0)

        def post_body(ti_, _):
            for u in range(4):
                t = ti_ * 4 + u
                tcol = (lane + t) & (_W - 1)
                aidx = tcol * _LANES + lane
                m = plsc.load_gather(macc, [aidx])
                o = plsc.load_gather(oacc, [aidx])
                plsc.store_scatter(macc, [aidx], zeros)
                plsc.store_scatter(oacc, [aidx], zeros)
                inv = 1.0 / jnp.maximum(m, _EPS)
                out_idx = lane_w + tcol
                plsc.store_scatter(disp_v, [out_idx],
                                   1.0 - jnp.minimum(o, 1.0))
                for c in range(_C):
                    r = plsc.load_gather(racc, [aidx + c * _GSZ])
                    plsc.store_scatter(racc, [aidx + c * _GSZ], zeros)
                    plsc.store_scatter(im_v, [out_idx + c * _GSZ], r * inv)
            return 0

        lax.fori_loop(0, _W // 4, post_body, 0)

        pltpu.sync_copy(disp_v, occ_hbm.at[pl.ds(g * _GSZ, _GSZ)])
        for c in range(_C):
            pltpu.sync_copy(
                im_v.at[pl.ds(c * _GSZ, _GSZ)],
                res_hbm.at[pl.ds(im_base + c * (_GROUPS_PER_B * _GSZ), _GSZ)])
        return 0

    lax.fori_loop(0, _GPW, group_body, 0)


_warp = functools.partial(
    pl.kernel,
    out_type=[
        jax.ShapeDtypeStruct((_B * _C * _H * _W,), jnp.float32),
        jax.ShapeDtypeStruct((_B * _H * _W,), jnp.float32),
    ],
    mesh=plsc.VectorSubcoreMesh(core_axis_name="c", subcore_axis_name="s"),
    compiler_params=pltpu.CompilerParams(needs_layout_passes=False),
    scratch_types=[
        pltpu.VMEM((_GSZ,), jnp.float32),
        pltpu.VMEM((_IMSZ,), jnp.float32),
        pltpu.VMEM((_IMSZ,), jnp.float32),
        pltpu.VMEM((_GSZ,), jnp.float32),
        pltpu.VMEM((_GSZ,), jnp.float32),
    ],
)(_warp_body)


def kernel(im, disp):
    res_flat, occ_flat = _warp(im.reshape(-1), disp.reshape(-1))
    return (res_flat.reshape(_B, _C, _H, _W),
            occ_flat.reshape(_B, 1, _H, _W))

# --- scband reference (transcript-rebuilt; emitter-appended) ---
"""Pipeline reference for scband-forward-warp-stereo-66846870995014 (READ-ONLY COPY).

The authoritative reference and input builder live on the scoring server;
editing this copy changes nothing except your own understanding.
"""

import jax, jax.numpy as jnp
import numpy as np

EPS = 1e-06
BASE = 1.414


def _forward_warp_nearest(im, flow):
    # im: [B, C, H, W], flow: [B, H, W, 2] (x, y)
    B, C, H, W = im.shape
    gy, gx = jnp.meshgrid(jnp.arange(H, dtype=jnp.float32),
                          jnp.arange(W, dtype=jnp.float32), indexing='ij')
    tx = jnp.round(gx[None, :, :] + flow[..., 0])
    ty = jnp.round(gy[None, :, :] + flow[..., 1])
    valid = (tx >= 0) & (tx <= W - 1) & (ty >= 0) & (ty <= H - 1)
    txi = jnp.clip(tx, 0, W - 1).astype(jnp.int32)
    tyi = jnp.clip(ty, 0, H - 1).astype(jnp.int32)
    flat_idx = (tyi * W + txi).reshape(B, H * W)
    vals = (im * valid[:, None, :, :].astype(im.dtype)).reshape(B, C, H * W)

    def scat(v, idx):
        # v: [C, H*W], idx: [H*W] -> scatter-add splat
        return jnp.zeros((C, H * W), v.dtype).at[:, idx].add(v)

    out = jax.vmap(scat)(vals, flat_idx)
    return out.reshape(B, C, H, W)


def setup_inputs(seed: int = 0) -> dict:
    key = jax.random.key(seed)
    k1, k2 = jax.random.split(key)
    im = jax.random.uniform(k1, (8, 3, 384, 512), dtype=jnp.float32)
    # disparity in [0, 32) pixels (realistic stereo range; keeps 1.414**disp finite)
    disp = jax.random.uniform(k2, (8, 1, 384, 512), dtype=jnp.float32) * 32.0
    return {"im": im, "disp": disp}


def reference(im, disp):
    convergence = 0.0
    disp = disp + convergence
    wmap = disp - jnp.min(disp)
    wmap = jnp.power(BASE, wmap)
    flow_x = -disp[:, 0]
    flow_y = jnp.zeros_like(flow_x)
    flow = jnp.stack((flow_x, flow_y), axis=-1)
    res_accum = _forward_warp_nearest(im * wmap, flow)
    mask = _forward_warp_nearest(wmap, flow)
    mask = jnp.clip(mask, EPS)
    res = res_accum / mask
    ones = jnp.ones_like(disp)
    occ = _forward_warp_nearest(ones, flow)
    occ = jnp.clip(occ, 0.0, 1.0)
    occ = 1.0 - occ
    return (res, occ)

if __name__ == "__main__":
    import jax
    _d = setup_inputs()
    print(jax.jit(kernel)(*tuple(_d.values())))

</pallas_src>

<mosaic_0001>
#map = affine_map<(d0, d1) -> (0)>
module attributes {stable_mosaic.version = 14 : i64} {
  func.func @_warp_body(%arg0: i32, %arg1: i32, %arg2: memref<4718592xf32, #tpu.memory_space<hbm>>, %arg3: memref<1572864xf32, #tpu.memory_space<hbm>>, %arg4: memref<4718592xf32, #tpu.memory_space<hbm>>, %arg5: memref<1572864xf32, #tpu.memory_space<hbm>>, %arg6: memref<8192xf32, #tpu.memory_space<vmem>>, %arg7: memref<24576xf32, #tpu.memory_space<vmem>>, %arg8: memref<24576xf32, #tpu.memory_space<vmem>>, %arg9: memref<8192xf32, #tpu.memory_space<vmem>>, %arg10: memref<8192xf32, #tpu.memory_space<vmem>>) attributes {dimension_semantics = [#tpu.dimension_semantics<core_parallel>, #tpu.dimension_semantics<subcore_parallel>], iteration_bounds = array<i64: 2, 16>, scalar_prefetch = 0 : i64, scratch_operands = 5 : i64, tpu.core_type = #tpu.core_type<sc_vector_subcore>, window_params = [{transform_indices = #map}, {transform_indices = #map}, {transform_indices = #map}, {transform_indices = #map}]} {
    %mul3A = arith.constant 2 : i32
    %mul3A_0 = arith.muli %arg1, %mul3A : i32
    %add3A = arith.addi %mul3A_0, %arg0 : i32
    %iota3A = tpu.iota {dimensions = array<i32: 0>} : vector<16xi32>
    %mul3A_1 = arith.constant 512 : i32
    %mul3A_2 = vector.broadcast %mul3A_1 : i32 to vector<16xi32>
    %mul3A_3 = arith.muli %iota3A, %mul3A_2 : vector<16xi32>
    %broadcast_in_dim3A = arith.constant 0.000000e+00 : f32
    %broadcast_in_dim3A_4 = vector.broadcast %broadcast_in_dim3A : f32 to vector<16xf32>
    %broadcast_in_dim3A_5 = arith.constant 1.000000e+00 : f32
    %broadcast_in_dim3A_6 = vector.broadcast %broadcast_in_dim3A_5 : f32 to vector<16xf32>
    %scan3A = arith.constant 0 : i32
    %scan3A_7 = arith.constant 0 : i32
    %scan3A_8 = arith.constant 128 : i32
    %scan3A_9 = arith.addi %scan3A_7, %scan3A_8 : i32
    %scan3A_10 = arith.constant 1 : i32
    %scan3A_11 = scf.for %scan3A_20 = %scan3A_7 to %scan3A_9 step %scan3A_10 iter_args(%scan3A_21 = %scan3A) -> (i32)  : i32 {
      %mul3A_22 = arith.constant 4 : i32
      %mul3A_23 = arith.muli %scan3A_20, %mul3A_22 : i32
      %add3A_24 = arith.constant 0 : i32
      %add3A_25 = arith.addi %mul3A_23, %add3A_24 : i32
      %mul3A_26 = arith.constant 16 : i32
      %mul3A_27 = arith.muli %add3A_25, %mul3A_26 : i32
      %swap3A = arith.index_cast %mul3A_27 : i32 to index
      %swap3A_28 = tpu.vector_load %arg9[%swap3A] {strides = array<i32>} : memref<8192xf32, #tpu.memory_space<vmem>>, vector<16xf32>,
      tpu.vector_store %arg9[%swap3A], %broadcast_in_dim3A_4 {strides = array<i32>} : memref<8192xf32, #tpu.memory_space<vmem>>, vector<16xf32>,
      %swap3A_29 = arith.index_cast %mul3A_27 : i32 to index
      %swap3A_30 = tpu.vector_load %arg10[%swap3A_29] {strides = array<i32>} : memref<8192xf32, #tpu.memory_space<vmem>>, vector<16xf32>,
      tpu.vector_store %arg10[%swap3A_29], %broadcast_in_dim3A_4 {strides = array<i32>} : memref<8192xf32, #tpu.memory_space<vmem>>, vector<16xf32>,
      %add3A_31 = arith.constant 0 : i32
      %add3A_32 = arith.addi %add3A_31, %mul3A_27 : i32
      %swap3A_33 = arith.index_cast %add3A_32 : i32 to index
      %swap3A_34 = tpu.vector_load %arg8[%swap3A_33] {strides = array<i32>} : memref<24576xf32, #tpu.memory_space<vmem>>, vector<16xf32>,
      tpu.vector_store %arg8[%swap3A_33], %broadcast_in_dim3A_4 {strides = array<i32>} : memref<24576xf32, #tpu.memory_space<vmem>>, vector<16xf32>,
      %add3A_35 = arith.constant 8192 : i32
      %add3A_36 = arith.addi %add3A_35, %mul3A_27 : i32
      %swap3A_37 = arith.index_cast %add3A_36 : i32 to index
      %swap3A_38 = tpu.vector_load %arg8[%swap3A_37] {strides = array<i32>} : memref<24576xf32, #tpu.memory_space<vmem>>, vector<16xf32>,
      tpu.vector_store %arg8[%swap3A_37], %broadcast_in_dim3A_4 {strides = array<i32>} : memref<24576xf32, #tpu.memory_space<vmem>>, vector<16xf32>,
      %add3A_39 = arith.constant 16384 : i32
      %add3A_40 = arith.addi %add3A_39, %mul3A_27 : i32
      %swap3A_41 = arith.index_cast %add3A_40 : i32 to index
      %swap3A_42 = tpu.vector_load %arg8[%swap3A_41] {strides = array<i32>} : memref<24576xf32, #tpu.memory_space<vmem>>, vector<16xf32>,
      tpu.vector_store %arg8[%swap3A_41], %broadcast_in_dim3A_4 {strides = array<i32>} : memref<24576xf32, #tpu.memory_space<vmem>>, vector<16xf32>,
      %mul3A_43 = arith.constant 4 : i32
      %mul3A_44 = arith.muli %scan3A_20, %mul3A_43 : i32
      %add3A_45 = arith.constant 1 : i32
      %add3A_46 = arith.addi %mul3A_44, %add3A_45 : i32
      %mul3A_47 = arith.constant 16 : i32
      %mul3A_48 = arith.muli %add3A_46, %mul3A_47 : i32
      %swap3A_49 = arith.index_cast %mul3A_48 : i32 to index
      %swap3A_50 = tpu.vector_load %arg9[%swap3A_49] {strides = array<i32>} : memref<8192xf32, #tpu.memory_space<vmem>>, vector<16xf32>,
      tpu.vector_store %arg9[%swap3A_49], %broadcast_in_dim3A_4 {strides = array<i32>} : memref<8192xf32, #tpu.memory_space<vmem>>, vector<16xf32>,
      %swap3A_51 = arith.index_cast %mul3A_48 : i32 to index
      %swap3A_52 = tpu.vector_load %arg10[%swap3A_51] {strides = array<i32>} : memref<8192xf32, #tpu.memory_space<vmem>>, vector<16xf32>,
      tpu.vector_store %arg10[%swap3A_51], %broadcast_in_dim3A_4 {strides = array<i32>} : memref<8192xf32, #tpu.memory_space<vmem>>, vector<16xf32>,
      %add3A_53 = arith.constant 0 : i32
      %add3A_54 = arith.addi %add3A_53, %mul3A_48 : i32
      %swap3A_55 = arith.index_cast %add3A_54 : i32 to index
      %swap3A_56 = tpu.vector_load %arg8[%swap3A_55] {strides = array<i32>} : memref<24576xf32, #tpu.memory_space<vmem>>, vector<16xf32>,
      tpu.vector_store %arg8[%swap3A_55], %broadcast_in_dim3A_4 {strides = array<i32>} : memref<24576xf32, #tpu.memory_space<vmem>>, vector<16xf32>,
      %add3A_57 = arith.constant 8192 : i32
      %add3A_58 = arith.addi %add3A_57, %mul3A_48 : i32
      %swap3A_59 = arith.index_cast %add3A_58 : i32 to index
      %swap3A_60 = tpu.vector_load %arg8[%swap3A_59] {strides = array<i32>} : memref<24576xf32, #tpu.memory_space<vmem>>, vector<16xf32>,
      tpu.vector_store %arg8[%swap3A_59], %broadcast_in_dim3A_4 {strides = array<i32>} : memref<24576xf32, #tpu.memory_space<vmem>>, vector<16xf32>,
      %add3A_61 = arith.constant 16384 : i32
      %add3A_62 = arith.addi %add3A_61, %mul3A_48 : i32
      %swap3A_63 = arith.index_cast %add3A_62 : i32 to index
      %swap3A_64 = tpu.vector_load %arg8[%swap3A_63] {strides = array<i32>} : memref<24576xf32, #tpu.memory_space<vmem>>, vector<16xf32>,
      tpu.vector_store %arg8[%swap3A_63], %broadcast_in_dim3A_4 {strides = array<i32>} : memref<24576xf32, #tpu.memory_space<vmem>>, vector<16xf32>,
      %mul3A_65 = arith.constant 4 : i32
      %mul3A_66 = arith.muli %scan3A_20, %mul3A_65 : i32
      %add3A_67 = arith.constant 2 : i32
      %add3A_68 = arith.addi %mul3A_66, %add3A_67 : i32
      %mul3A_69 = arith.constant 16 : i32
      %mul3A_70 = arith.muli %add3A_68, %mul3A_69 : i32
      %swap3A_71 = arith.index_cast %mul3A_70 : i32 to index
      %swap3A_72 = tpu.vector_load %arg9[%swap3A_71] {strides = array<i32>} : memref<8192xf32, #tpu.memory_space<vmem>>, vector<16xf32>,
      tpu.vector_store %arg9[%swap3A_71], %broadcast_in_dim3A_4 {strides = array<i32>} : memref<8192xf32, #tpu.memory_space<vmem>>, vector<16xf32>,
      %swap3A_73 = arith.index_cast %mul3A_70 : i32 to index
      %swap3A_74 = tpu.vector_load %arg10[%swap3A_73] {strides = array<i32>} : memref<8192xf32, #tpu.memory_space<vmem>>, vector<16xf32>,
      tpu.vector_store %arg10[%swap3A_73], %broadcast_in_dim3A_4 {strides = array<i32>} : memref<8192xf32, #tpu.memory_space<vmem>>, vector<16xf32>,
      %add3A_75 = arith.constant 0 : i32
      %add3A_76 = arith.addi %add3A_75, %mul3A_70 : i32
      %swap3A_77 = arith.index_cast %add3A_76 : i32 to index
      %swap3A_78 = tpu.vector_load %arg8[%swap3A_77] {strides = array<i32>} : memref<24576xf32, #tpu.memory_space<vmem>>, vector<16xf32>,
      tpu.vector_store %arg8[%swap3A_77], %broadcast_in_dim3A_4 {strides = array<i32>} : memref<24576xf32, #tpu.memory_space<vmem>>, vector<16xf32>,
      %add3A_79 = arith.constant 8192 : i32
      %add3A_80 = arith.addi %add3A_79, %mul3A_70 : i32
      %swap3A_81 = arith.index_cast %add3A_80 : i32 to index
      %swap3A_82 = tpu.vector_load %arg8[%swap3A_81] {strides = array<i32>} : memref<24576xf32, #tpu.memory_space<vmem>>, vector<16xf32>,
      tpu.vector_store %arg8[%swap3A_81], %broadcast_in_dim3A_4 {strides = array<i32>} : memref<24576xf32, #tpu.memory_space<vmem>>, vector<16xf32>,
      %add3A_83 = arith.constant 16384 : i32
      %add3A_84 = arith.addi %add3A_83, %mul3A_70 : i32
      %swap3A_85 = arith.index_cast %add3A_84 : i32 to index
      %swap3A_86 = tpu.vector_load %arg8[%swap3A_85] {strides = array<i32>} : memref<24576xf32, #tpu.memory_space<vmem>>, vector<16xf32>,
      tpu.vector_store %arg8[%swap3A_85], %broadcast_in_dim3A_4 {strides = array<i32>} : memref<24576xf32, #tpu.memory_space<vmem>>, vector<16xf32>,
      %mul3A_87 = arith.constant 4 : i32
      %mul3A_88 = arith.muli %scan3A_20, %mul3A_87 : i32
      %add3A_89 = arith.constant 3 : i32
      %add3A_90 = arith.addi %mul3A_88, %add3A_89 : i32
      %mul3A_91 = arith.constant 16 : i32
      %mul3A_92 = arith.muli %add3A_90, %mul3A_91 : i32
      %swap3A_93 = arith.index_cast %mul3A_92 : i32 to index
      %swap3A_94 = tpu.vector_load %arg9[%swap3A_93] {strides = array<i32>} : memref<8192xf32, #tpu.memory_space<vmem>>, vector<16xf32>,
      tpu.vector_store %arg9[%swap3A_93], %broadcast_in_dim3A_4 {strides = array<i32>} : memref<8192xf32, #tpu.memory_space<vmem>>, vector<16xf32>,
      %swap3A_95 = arith.index_cast %mul3A_92 : i32 to index
      %swap3A_96 = tpu.vector_load %arg10[%swap3A_95] {strides = array<i32>} : memref<8192xf32, #tpu.memory_space<vmem>>, vector<16xf32>,
      tpu.vector_store %arg10[%swap3A_95], %broadcast_in_dim3A_4 {strides = array<i32>} : memref<8192xf32, #tpu.memory_space<vmem>>, vector<16xf32>,
      %add3A_97 = arith.constant 0 : i32
      %add3A_98 = arith.addi %add3A_97, %mul3A_92 : i32
      %swap3A_99 = arith.index_cast %add3A_98 : i32 to index
      %swap3A_100 = tpu.vector_load %arg8[%swap3A_99] {strides = array<i32>} : memref<24576xf32, #tpu.memory_space<vmem>>, vector<16xf32>,
      tpu.vector_store %arg8[%swap3A_99], %broadcast_in_dim3A_4 {strides = array<i32>} : memref<24576xf32, #tpu.memory_space<vmem>>, vector<16xf32>,
      %add3A_101 = arith.constant 8192 : i32
      %add3A_102 = arith.addi %add3A_101, %mul3A_92 : i32
      %swap3A_103 = arith.index_cast %add3A_102 : i32 to index
      %swap3A_104 = tpu.vector_load %arg8[%swap3A_103] {strides = array<i32>} : memref<24576xf32, #tpu.memory_space<vmem>>, vector<16xf32>,
      tpu.vector_store %arg8[%swap3A_103], %broadcast_in_dim3A_4 {strides = array<i32>} : memref<24576xf32, #tpu.memory_space<vmem>>, vector<16xf32>,
      %add3A_105 = arith.constant 16384 : i32
      %add3A_106 = arith.addi %add3A_105, %mul3A_92 : i32
      %swap3A_107 = arith.index_cast %add3A_106 : i32 to index
      %swap3A_108 = tpu.vector_load %arg8[%swap3A_107] {strides = array<i32>} : memref<24576xf32, #tpu.memory_space<vmem>>, vector<16xf32>,
      tpu.vector_store %arg8[%swap3A_107], %broadcast_in_dim3A_4 {strides = array<i32>} : memref<24576xf32, #tpu.memory_space<vmem>>, vector<16xf32>,
      %scan3A_109 = arith.constant 0 : i32
      scf.yield %scan3A_109 : i32
    }
    %scan3A_12 = arith.constant 128 : i32
    %scan3A_13 = arith.constant 0 : i32
    %scan3A_14 = arith.constant 0 : i32
    %scan3A_15 = arith.constant 6 : i32
    %scan3A_16 = arith.addi %scan3A_14, %scan3A_15 : i32
    %scan3A_17 = arith.constant 1 : i32
    %scan3A_18 = scf.for %scan3A_20 = %scan3A_14 to %scan3A_16 step %scan3A_17 iter_args(%scan3A_21 = %scan3A_13) -> (i32)  : i32 {
      %mul3A_22 = arith.constant 6 : i32
      %mul3A_23 = arith.muli %add3A, %mul3A_22 : i32
      %add3A_24 = arith.addi %mul3A_23, %scan3A_20 : i32
      %jit3A = arith.constant 24 : i32
      %div3A = arith.divsi %add3A_24, %jit3A : i32
      %sign3A = arith.constant 0 : i32
      %sign3A_25 = arith.cmpi sgt, %add3A_24, %sign3A : i32
      %sign3A_26 = arith.extui %sign3A_25 : i1 to i32
      %sign3A_27 = arith.constant 0 : i32
      %sign3A_28 = arith.cmpi slt, %add3A_24, %sign3A_27 : i32
      %sign3A_29 = arith.extui %sign3A_28 : i1 to i32
      %sign3A_30 = arith.subi %sign3A_26, %sign3A_29 : i32
      %sign3A_31 = arith.constant 0 : i32
      %sign3A_32 = arith.cmpi sgt, %jit3A, %sign3A_31 : i32
      %sign3A_33 = arith.extui %sign3A_32 : i1 to i32
      %sign3A_34 = arith.constant 0 : i32
      %sign3A_35 = arith.cmpi slt, %jit3A, %sign3A_34 : i32
      %sign3A_36 = arith.extui %sign3A_35 : i1 to i32
      %sign3A_37 = arith.subi %sign3A_33, %sign3A_36 : i32
      %ne3A = arith.cmpi ne, %sign3A_30, %sign3A_37 : i32
      %rem3A = arith.remsi %add3A_24, %jit3A : i32
      %ne3A_38 = arith.constant 0 : i32
      %ne3A_39 = arith.cmpi ne, %rem3A, %ne3A_38 : i32
      %and3A = arith.andi %ne3A, %ne3A_39 : i1
      %sub3A = arith.constant 1 : i32
      %sub3A_40 = arith.subi %div3A, %sub3A : i32
      %select_n3A = arith.select %and3A, %sub3A_40, %div3A : i32
      %mul3A_41 = arith.constant 589824 : i32
      %mul3A_42 = arith.muli %select_n3A, %mul3A_41 : i32
      %jit3A_43 = arith.constant 24 : i32
      %eq3A = arith.constant 0 : i32
      %eq3A_44 = arith.cmpi eq, %jit3A_43, %eq3A : i32
      %jit3A_45 = arith.constant 1 : i32
      %select_n3A_46 = arith.select %eq3A_44, %jit3A_45, %jit3A_43 : i32
      %rem3A_47 = arith.remsi %add3A_24, %select_n3A_46 : i32
      %ne3A_48 = arith.constant 0 : i32
      %ne3A_49 = arith.cmpi ne, %rem3A_47, %ne3A_48 : i32
      %lt3A = arith.constant 0 : i32
      %lt3A_50 = arith.cmpi slt, %rem3A_47, %lt3A : i32
      %lt3A_51 = arith.constant 0 : i32
      %lt3A_52 = arith.cmpi slt, %select_n3A_46, %lt3A_51 : i32
      %ne3A_53 = arith.xori %lt3A_50, %lt3A_52 : i1
      %and3A_54 = arith.andi %ne3A_53, %ne3A_49 : i1
      %add3A_55 = arith.addi %rem3A_47, %select_n3A_46 : i32
      %select_n3A_56 = arith.select %and3A_54, %add3A_55, %rem3A_47 : i32
      %mul3A_57 = arith.constant 8192 : i32
      %mul3A_58 = arith.muli %select_n3A_56, %mul3A_57 : i32
      %add3A_59 = arith.addi %mul3A_42, %mul3A_58 : i32
      %mul3A_60 = arith.constant 8192 : i32
      %mul3A_61 = arith.muli %add3A_24, %mul3A_60 : i32
      "tpu.region"() ({
        %run_scoped3A = tpu.sem_alloc : memref<!tpu.dma_semaphore, #tpu.memory_space<semaphore_mem>>
        %dma_start3A = tpu.memref_slice %arg3[%mul3A_61] : memref<1572864xf32, #tpu.memory_space<hbm>> -> memref<8192xf32, #tpu.memory_space<hbm>>
        %dma_start3A_91 = tpu.memref_slice %arg3[%mul3A_61] : memref<1572864xf32, #tpu.memory_space<hbm>> -> memref<8192xf32, #tpu.memory_space<hbm>>
        tpu.enqueue_dma source(%dma_start3A_91 : memref<8192xf32, #tpu.memory_space<hbm>>) target(%arg6 : memref<8192xf32, #tpu.memory_space<vmem>>) target_semaphore(%run_scoped3A : memref<!tpu.dma_semaphore, #tpu.memory_space<semaphore_mem>>)
        %dma_wait3A = tpu.memref_slice %arg3[%mul3A_61] : memref<1572864xf32, #tpu.memory_space<hbm>> -> memref<8192xf32, #tpu.memory_space<hbm>>
        %dma_wait3A_92 = tpu.memref_slice %arg3[%mul3A_61] : memref<1572864xf32, #tpu.memory_space<hbm>> -> memref<8192xf32, #tpu.memory_space<hbm>>
        tpu.wait_dma2 semaphore(%run_scoped3A : memref<!tpu.dma_semaphore, #tpu.memory_space<semaphore_mem>>) src(%dma_wait3A_92 : memref<8192xf32, #tpu.memory_space<hbm>>) dst(%arg6 : memref<8192xf32, #tpu.memory_space<vmem>>)
        tpu.yield
      }) : () -> ()
      %add3A_62 = arith.constant 0 : i32
      %add3A_63 = arith.addi %add3A_59, %add3A_62 : i32
      "tpu.region"() ({
        %run_scoped3A = tpu.sem_alloc : memref<!tpu.dma_semaphore, #tpu.memory_space<semaphore_mem>>
        %dma_start3A = arith.constant 0 : i32
        %dma_start3A_91 = tpu.memref_slice %arg7[%dma_start3A] : memref<24576xf32, #tpu.memory_space<vmem>> -> memref<8192xf32, #tpu.memory_space<vmem>>
        %dma_start3A_92 = tpu.memref_slice %arg2[%add3A_63] : memref<4718592xf32, #tpu.memory_space<hbm>> -> memref<8192xf32, #tpu.memory_space<hbm>>
        %dma_start3A_93 = arith.constant 0 : i32
        %dma_start3A_94 = tpu.memref_slice %arg7[%dma_start3A_93] : memref<24576xf32, #tpu.memory_space<vmem>> -> memref<8192xf32, #tpu.memory_space<vmem>>
        %dma_start3A_95 = tpu.memref_slice %arg2[%add3A_63] : memref<4718592xf32, #tpu.memory_space<hbm>> -> memref<8192xf32, #tpu.memory_space<hbm>>
        tpu.enqueue_dma source(%dma_start3A_95 : memref<8192xf32, #tpu.memory_space<hbm>>) target(%dma_start3A_94 : memref<8192xf32, #tpu.memory_space<vmem>>) target_semaphore(%run_scoped3A : memref<!tpu.dma_semaphore, #tpu.memory_space<semaphore_mem>>)
        %dma_wait3A = arith.constant 0 : i32
        %dma_wait3A_96 = tpu.memref_slice %arg7[%dma_wait3A] : memref<24576xf32, #tpu.memory_space<vmem>> -> memref<8192xf32, #tpu.memory_space<vmem>>
        %dma_wait3A_97 = tpu.memref_slice %arg2[%add3A_63] : memref<4718592xf32, #tpu.memory_space<hbm>> -> memref<8192xf32, #tpu.memory_space<hbm>>
        %dma_wait3A_98 = arith.constant 0 : i32
        %dma_wait3A_99 = tpu.memref_slice %arg7[%dma_wait3A_98] : memref<24576xf32, #tpu.memory_space<vmem>> -> memref<8192xf32, #tpu.memory_space<vmem>>
        %dma_wait3A_100 = tpu.memref_slice %arg2[%add3A_63] : memref<4718592xf32, #tpu.memory_space<hbm>> -> memref<8192xf32, #tpu.memory_space<hbm>>
        tpu.wait_dma2 semaphore(%run_scoped3A : memref<!tpu.dma_semaphore, #tpu.memory_space<semaphore_mem>>) src(%dma_wait3A_100 : memref<8192xf32, #tpu.memory_space<hbm>>) dst(%dma_wait3A_99 : memref<8192xf32, #tpu.memory_space<vmem>>)
        tpu.yield
      }) : () -> ()
      %add3A_64 = arith.constant 196608 : i32
      %add3A_65 = arith.addi %add3A_59, %add3A_64 : i32
      "tpu.region"() ({
        %run_scoped3A = tpu.sem_alloc : memref<!tpu.dma_semaphore, #tpu.memory_space<semaphore_mem>>
        %dma_start3A = arith.constant 8192 : i32
        %dma_start3A_91 = tpu.memref_slice %arg7[%dma_start3A] : memref<24576xf32, #tpu.memory_space<vmem>> -> memref<8192xf32, #tpu.memory_space<vmem>>
        %dma_start3A_92 = tpu.memref_slice %arg2[%add3A_65] : memref<4718592xf32, #tpu.memory_space<hbm>> -> memref<8192xf32, #tpu.memory_space<hbm>>
        %dma_start3A_93 = arith.constant 8192 : i32
        %dma_start3A_94 = tpu.memref_slice %arg7[%dma_start3A_93] : memref<24576xf32, #tpu.memory_space<vmem>> -> memref<8192xf32, #tpu.memory_space<vmem>>
        %dma_start3A_95 = tpu.memref_slice %arg2[%add3A_65] : memref<4718592xf32, #tpu.memory_space<hbm>> -> memref<8192xf32, #tpu.memory_space<hbm>>
        tpu.enqueue_dma source(%dma_start3A_95 : memref<8192xf32, #tpu.memory_space<hbm>>) target(%dma_start3A_94 : memref<8192xf32, #tpu.memory_space<vmem>>) target_semaphore(%run_scoped3A : memref<!tpu.dma_semaphore, #tpu.memory_space<semaphore_mem>>)
        %dma_wait3A = arith.constant 8192 : i32
        %dma_wait3A_96 = tpu.memref_slice %arg7[%dma_wait3A] : memref<24576xf32, #tpu.memory_space<vmem>> -> memref<8192xf32, #tpu.memory_space<vmem>>
        %dma_wait3A_97 = tpu.memref_slice %arg2[%add3A_65] : memref<4718592xf32, #tpu.memory_space<hbm>> -> memref<8192xf32, #tpu.memory_space<hbm>>
        %dma_wait3A_98 = arith.constant 8192 : i32
        %dma_wait3A_99 = tpu.memref_slice %arg7[%dma_wait3A_98] : memref<24576xf32, #tpu.memory_space<vmem>> -> memref<8192xf32, #tpu.memory_space<vmem>>
        %dma_wait3A_100 = tpu.memref_slice %arg2[%add3A_65] : memref<4718592xf32, #tpu.memory_space<hbm>> -> memref<8192xf32, #tpu.memory_space<hbm>>
        tpu.wait_dma2 semaphore(%run_scoped3A : memref<!tpu.dma_semaphore, #tpu.memory_space<semaphore_mem>>) src(%dma_wait3A_100 : memref<8192xf32, #tpu.memory_space<hbm>>) dst(%dma_wait3A_99 : memref<8192xf32, #tpu.memory_space<vmem>>)
        tpu.yield
      }) : () -> ()
      %add3A_66 = arith.constant 393216 : i32
      %add3A_67 = arith.addi %add3A_59, %add3A_66 : i32
      "tpu.region"() ({
        %run_scoped3A = tpu.sem_alloc : memref<!tpu.dma_semaphore, #tpu.memory_space<semaphore_mem>>
        %dma_start3A = arith.constant 16384 : i32
        %dma_start3A_91 = tpu.memref_slice %arg7[%dma_start3A] : memref<24576xf32, #tpu.memory_space<vmem>> -> memref<8192xf32, #tpu.memory_space<vmem>>
        %dma_start3A_92 = tpu.memref_slice %arg2[%add3A_67] : memref<4718592xf32, #tpu.memory_space<hbm>> -> memref<8192xf32, #tpu.memory_space<hbm>>
        %dma_start3A_93 = arith.constant 16384 : i32
        %dma_start3A_94 = tpu.memref_slice %arg7[%dma_start3A_93] : memref<24576xf32, #tpu.memory_space<vmem>> -> memref<8192xf32, #tpu.memory_space<vmem>>
        %dma_start3A_95 = tpu.memref_slice %arg2[%add3A_67] : memref<4718592xf32, #tpu.memory_space<hbm>> -> memref<8192xf32, #tpu.memory_space<hbm>>
        tpu.enqueue_dma source(%dma_start3A_95 : memref<8192xf32, #tpu.memory_space<hbm>>) target(%dma_start3A_94 : memref<8192xf32, #tpu.memory_space<vmem>>) target_semaphore(%run_scoped3A : memref<!tpu.dma_semaphore, #tpu.memory_space<semaphore_mem>>)
        %dma_wait3A = arith.constant 16384 : i32
        %dma_wait3A_96 = tpu.memref_slice %arg7[%dma_wait3A] : memref<24576xf32, #tpu.memory_space<vmem>> -> memref<8192xf32, #tpu.memory_space<vmem>>
        %dma_wait3A_97 = tpu.memref_slice %arg2[%add3A_67] : memref<4718592xf32, #tpu.memory_space<hbm>> -> memref<8192xf32, #tpu.memory_space<hbm>>
        %dma_wait3A_98 = arith.constant 16384 : i32
        %dma_wait3A_99 = tpu.memref_slice %arg7[%dma_wait3A_98] : memref<24576xf32, #tpu.memory_space<vmem>> -> memref<8192xf32, #tpu.memory_space<vmem>>
        %dma_wait3A_100 = tpu.memref_slice %arg2[%add3A_67] : memref<4718592xf32, #tpu.memory_space<hbm>> -> memref<8192xf32, #tpu.memory_space<hbm>>
        tpu.wait_dma2 semaphore(%run_scoped3A : memref<!tpu.dma_semaphore, #tpu.memory_space<semaphore_mem>>) src(%dma_wait3A_100 : memref<8192xf32, #tpu.memory_space<hbm>>) dst(%dma_wait3A_99 : memref<8192xf32, #tpu.memory_space<vmem>>)
        tpu.yield
      }) : () -> ()
      %scan3A_68 = arith.constant 0 : i32
      %scan3A_69 = arith.constant 0 : i32
      %scan3A_70 = arith.constant 128 : i32
      %scan3A_71 = arith.addi %scan3A_69, %scan3A_70 : i32
      %scan3A_72 = arith.constant 1 : i32
      %scan3A_73 = scf.for %scan3A_91 = %scan3A_69 to %scan3A_71 step %scan3A_72 iter_args(%scan3A_92 = %scan3A_68) -> (i32)  : i32 {
        %mul3A_93 = arith.constant 4 : i32
        %mul3A_94 = arith.muli %scan3A_91, %mul3A_93 : i32
        %add3A_95 = arith.constant 0 : i32
        %add3A_96 = arith.addi %mul3A_94, %add3A_95 : i32
        %add3A_97 = vector.broadcast %add3A_96 : i32 to vector<16xi32>
        %add3A_98 = arith.addi %iota3A, %add3A_97 : vector<16xi32>
        %and3A_99 = arith.constant 511 : i32
        %and3A_100 = vector.broadcast %and3A_99 : i32 to vector<16xi32>
        %and3A_101 = arith.andi %add3A_98, %and3A_100 : vector<16xi32>
        %add3A_102 = arith.addi %mul3A_3, %and3A_101 : vector<16xi32>
        %gather3A = tpu.vector_load_idx %arg6[%add3A_102] : memref<8192xf32, #tpu.memory_space<vmem>>[vector<16xi32>], vector<16xf32>,
        %convert_element_type3A = arith.sitofp %and3A_101 : vector<16xi32> to vector<16xf32>
        %sub3A_103 = arith.subf %convert_element_type3A, %gather3A : vector<16xf32>
        %add3A_104 = arith.constant 0x4B400000 : f32
        %add3A_105 = vector.broadcast %add3A_104 : f32 to vector<16xf32>
        %add3A_106 = arith.addf %sub3A_103, %add3A_105 : vector<16xf32>
        %sub3A_107 = arith.constant 0x4B400000 : f32
        %sub3A_108 = vector.broadcast %sub3A_107 : f32 to vector<16xf32>
        %sub3A_109 = arith.subf %add3A_106, %sub3A_108 : vector<16xf32>
        %ge3A = arith.constant 0.000000e+00 : f32
        %ge3A_110 = vector.broadcast %ge3A : f32 to vector<16xf32>
        %ge3A_111 = arith.cmpf oge, %sub3A_109, %ge3A_110 : vector<16xf32>
        %convert_element_type3A_112 = arith.fptosi %sub3A_109 : vector<16xf32> to vector<16xi32>
        %max3A = arith.constant 0 : i32
        %max3A_113 = vector.broadcast %max3A : i32 to vector<16xi32>
        %max3A_114 = arith.maxsi %convert_element_type3A_112, %max3A_113 : vector<16xi32>
        %mul3A_115 = arith.constant 0.346422553 : f32
        %mul3A_116 = vector.broadcast %mul3A_115 : f32 to vector<16xf32>
        %mul3A_117 = arith.mulf %gather3A, %mul3A_116 : vector<16xf32>
        %exp3A = math.exp %mul3A_117 : vector<16xf32>
        %mul3A_118 = arith.constant 16 : i32
        %mul3A_119 = vector.broadcast %mul3A_118 : i32 to vector<16xi32>
        %mul3A_120 = arith.muli %max3A_114, %mul3A_119 : vector<16xi32>
        %add3A_121 = arith.addi %mul3A_120, %iota3A : vector<16xi32>
        tpu.vector_store_idx %arg9[%add3A_121], %exp3A masked %ge3A_111 {add = true} : memref<8192xf32, #tpu.memory_space<vmem>>[vector<16xi32>], vector<16xf32>, vector<16xi1>
        tpu.vector_store_idx %arg10[%add3A_121], %broadcast_in_dim3A_6 masked %ge3A_111 {add = true} : memref<8192xf32, #tpu.memory_space<vmem>>[vector<16xi32>], vector<16xf32>, vector<16xi1>
        %add3A_122 = arith.constant 0 : i32
        %add3A_123 = vector.broadcast %add3A_122 : i32 to vector<16xi32>
        %add3A_124 = arith.addi %add3A_102, %add3A_123 : vector<16xi32>
        %gather3A_125 = tpu.vector_load_idx %arg7[%add3A_124] : memref<24576xf32, #tpu.memory_space<vmem>>[vector<16xi32>], vector<16xf32>,
        %mul3A_126 = arith.mulf %gather3A_125, %exp3A : vector<16xf32>
        %add3A_127 = arith.constant 0 : i32
        %add3A_128 = vector.broadcast %add3A_127 : i32 to vector<16xi32>
        %add3A_129 = arith.addi %add3A_121, %add3A_128 : vector<16xi32>
        tpu.vector_store_idx %arg8[%add3A_129], %mul3A_126 masked %ge3A_111 {add = true} : memref<24576xf32, #tpu.memory_space<vmem>>[vector<16xi32>], vector<16xf32>, vector<16xi1>
        %add3A_130 = arith.constant 8192 : i32
        %add3A_131 = vector.broadcast %add3A_130 : i32 to vector<16xi32>
        %add3A_132 = arith.addi %add3A_102, %add3A_131 : vector<16xi32>
        %gather3A_133 = tpu.vector_load_idx %arg7[%add3A_132] : memref<24576xf32, #tpu.memory_space<vmem>>[vector<16xi32>], vector<16xf32>,
        %mul3A_134 = arith.mulf %gather3A_133, %exp3A : vector<16xf32>
        %add3A_135 = arith.constant 8192 : i32
        %add3A_136 = vector.broadcast %add3A_135 : i32 to vector<16xi32>
        %add3A_137 = arith.addi %add3A_121, %add3A_136 : vector<16xi32>
        tpu.vector_store_idx %arg8[%add3A_137], %mul3A_134 masked %ge3A_111 {add = true} : memref<24576xf32, #tpu.memory_space<vmem>>[vector<16xi32>], vector<16xf32>, vector<16xi1>
        %add3A_138 = arith.constant 16384 : i32
        %add3A_139 = vector.broadcast %add3A_138 : i32 to vector<16xi32>
        %add3A_140 = arith.addi %add3A_102, %add3A_139 : vector<16xi32>
        %gather3A_141 = tpu.vector_load_idx %arg7[%add3A_140] : memref<24576xf32, #tpu.memory_space<vmem>>[vector<16xi32>], vector<16xf32>,
        %mul3A_142 = arith.mulf %gather3A_141, %exp3A : vector<16xf32>
        %add3A_143 = arith.constant 16384 : i32
        %add3A_144 = vector.broadcast %add3A_143 : i32 to vector<16xi32>
        %add3A_145 = arith.addi %add3A_121, %add3A_144 : vector<16xi32>
        tpu.vector_store_idx %arg8[%add3A_145], %mul3A_142 masked %ge3A_111 {add = true} : memref<24576xf32, #tpu.memory_space<vmem>>[vector<16xi32>], vector<16xf32>, vector<16xi1>
        %mul3A_146 = arith.constant 4 : i32
        %mul3A_147 = arith.muli %scan3A_91, %mul3A_146 : i32
        %add3A_148 = arith.constant 1 : i32
        %add3A_149 = arith.addi %mul3A_147, %add3A_148 : i32
        %add3A_150 = vector.broadcast %add3A_149 : i32 to vector<16xi32>
        %add3A_151 = arith.addi %iota3A, %add3A_150 : vector<16xi32>
        %and3A_152 = arith.constant 511 : i32
        %and3A_153 = vector.broadcast %and3A_152 : i32 to vector<16xi32>
        %and3A_154 = arith.andi %add3A_151, %and3A_153 : vector<16xi32>
        %add3A_155 = arith.addi %mul3A_3, %and3A_154 : vector<16xi32>
        %gather3A_156 = tpu.vector_load_idx %arg6[%add3A_155] : memref<8192xf32, #tpu.memory_space<vmem>>[vector<16xi32>], vector<16xf32>,
        %convert_element_type3A_157 = arith.sitofp %and3A_154 : vector<16xi32> to vector<16xf32>
        %sub3A_158 = arith.subf %convert_element_type3A_157, %gather3A_156 : vector<16xf32>
        %add3A_159 = arith.constant 0x4B400000 : f32
        %add3A_160 = vector.broadcast %add3A_159 : f32 to vector<16xf32>
        %add3A_161 = arith.addf %sub3A_158, %add3A_160 : vector<16xf32>
        %sub3A_162 = arith.constant 0x4B400000 : f32
        %sub3A_163 = vector.broadcast %sub3A_162 : f32 to vector<16xf32>
        %sub3A_164 = arith.subf %add3A_161, %sub3A_163 : vector<16xf32>
        %ge3A_165 = arith.constant 0.000000e+00 : f32
        %ge3A_166 = vector.broadcast %ge3A_165 : f32 to vector<16xf32>
        %ge3A_167 = arith.cmpf oge, %sub3A_164, %ge3A_166 : vector<16xf32>
        %convert_element_type3A_168 = arith.fptosi %sub3A_164 : vector<16xf32> to vector<16xi32>
        %max3A_169 = arith.constant 0 : i32
        %max3A_170 = vector.broadcast %max3A_169 : i32 to vector<16xi32>
        %max3A_171 = arith.maxsi %convert_element_type3A_168, %max3A_170 : vector<16xi32>
        %mul3A_172 = arith.constant 0.346422553 : f32
        %mul3A_173 = vector.broadcast %mul3A_172 : f32 to vector<16xf32>
        %mul3A_174 = arith.mulf %gather3A_156, %mul3A_173 : vector<16xf32>
        %exp3A_175 = math.exp %mul3A_174 : vector<16xf32>
        %mul3A_176 = arith.constant 16 : i32
        %mul3A_177 = vector.broadcast %mul3A_176 : i32 to vector<16xi32>
        %mul3A_178 = arith.muli %max3A_171, %mul3A_177 : vector<16xi32>
        %add3A_179 = arith.addi %mul3A_178, %iota3A : vector<16xi32>
        tpu.vector_store_idx %arg9[%add3A_179], %exp3A_175 masked %ge3A_167 {add = true} : memref<8192xf32, #tpu.memory_space<vmem>>[vector<16xi32>], vector<16xf32>, vector<16xi1>
        tpu.vector_store_idx %arg10[%add3A_179], %broadcast_in_dim3A_6 masked %ge3A_167 {add = true} : memref<8192xf32, #tpu.memory_space<vmem>>[vector<16xi32>], vector<16xf32>, vector<16xi1>
        %add3A_180 = arith.constant 0 : i32
        %add3A_181 = vector.broadcast %add3A_180 : i32 to vector<16xi32>
        %add3A_182 = arith.addi %add3A_155, %add3A_181 : vector<16xi32>
        %gather3A_183 = tpu.vector_load_idx %arg7[%add3A_182] : memref<24576xf32, #tpu.memory_space<vmem>>[vector<16xi32>], vector<16xf32>,
        %mul3A_184 = arith.mulf %gather3A_183, %exp3A_175 : vector<16xf32>
        %add3A_185 = arith.constant 0 : i32
        %add3A_186 = vector.broadcast %add3A_185 : i32 to vector<16xi32>
        %add3A_187 = arith.addi %add3A_179, %add3A_186 : vector<16xi32>
        tpu.vector_store_idx %arg8[%add3A_187], %mul3A_184 masked %ge3A_167 {add = true} : memref<24576xf32, #tpu.memory_space<vmem>>[vector<16xi32>], vector<16xf32>, vector<16xi1>
        %add3A_188 = arith.constant 8192 : i32
        %add3A_189 = vector.broadcast %add3A_188 : i32 to vector<16xi32>
        %add3A_190 = arith.addi %add3A_155, %add3A_189 : vector<16xi32>
        %gather3A_191 = tpu.vector_load_idx %arg7[%add3A_190] : memref<24576xf32, #tpu.memory_space<vmem>>[vector<16xi32>], vector<16xf32>,
        %mul3A_192 = arith.mulf %gather3A_191, %exp3A_175 : vector<16xf32>
        %add3A_193 = arith.constant 8192 : i32
        %add3A_194 = vector.broadcast %add3A_193 : i32 to vector<16xi32>
        %add3A_195 = arith.addi %add3A_179, %add3A_194 : vector<16xi32>
        tpu.vector_store_idx %arg8[%add3A_195], %mul3A_192 masked %ge3A_167 {add = true} : memref<24576xf32, #tpu.memory_space<vmem>>[vector<16xi32>], vector<16xf32>, vector<16xi1>
        %add3A_196 = arith.constant 16384 : i32
        %add3A_197 = vector.broadcast %add3A_196 : i32 to vector<16xi32>
        %add3A_198 = arith.addi %add3A_155, %add3A_197 : vector<16xi32>
        %gather3A_199 = tpu.vector_load_idx %arg7[%add3A_198] : memref<24576xf32, #tpu.memory_space<vmem>>[vector<16xi32>], vector<16xf32>,
        %mul3A_200 = arith.mulf %gather3A_199, %exp3A_175 : vector<16xf32>
        %add3A_201 = arith.constant 16384 : i32
        %add3A_202 = vector.broadcast %add3A_201 : i32 to vector<16xi32>
        %add3A_203 = arith.addi %add3A_179, %add3A_202 : vector<16xi32>
        tpu.vector_store_idx %arg8[%add3A_203], %mul3A_200 masked %ge3A_167 {add = true} : memref<24576xf32, #tpu.memory_space<vmem>>[vector<16xi32>], vector<16xf32>, vector<16xi1>
        %mul3A_204 = arith.constant 4 : i32
        %mul3A_205 = arith.muli %scan3A_91, %mul3A_204 : i32
        %add3A_206 = arith.constant 2 : i32
        %add3A_207 = arith.addi %mul3A_205, %add3A_206 : i32
        %add3A_208 = vector.broadcast %add3A_207 : i32 to vector<16xi32>
        %add3A_209 = arith.addi %iota3A, %add3A_208 : vector<16xi32>
        %and3A_210 = arith.constant 511 : i32
        %and3A_211 = vector.broadcast %and3A_210 : i32 to vector<16xi32>
        %and3A_212 = arith.andi %add3A_209, %and3A_211 : vector<16xi32>
        %add3A_213 = arith.addi %mul3A_3, %and3A_212 : vector<16xi32>
        %gather3A_214 = tpu.vector_load_idx %arg6[%add3A_213] : memref<8192xf32, #tpu.memory_space<vmem>>[vector<16xi32>], vector<16xf32>,
        %convert_element_type3A_215 = arith.sitofp %and3A_212 : vector<16xi32> to vector<16xf32>
        %sub3A_216 = arith.subf %convert_element_type3A_215, %gather3A_214 : vector<16xf32>
        %add3A_217 = arith.constant 0x4B400000 : f32
        %add3A_218 = vector.broadcast %add3A_217 : f32 to vector<16xf32>
        %add3A_219 = arith.addf %sub3A_216, %add3A_218 : vector<16xf32>
        %sub3A_220 = arith.constant 0x4B400000 : f32
        %sub3A_221 = vector.broadcast %sub3A_220 : f32 to vector<16xf32>
        %sub3A_222 = arith.subf %add3A_219, %sub3A_221 : vector<16xf32>
        %ge3A_223 = arith.constant 0.000000e+00 : f32
        %ge3A_224 = vector.broadcast %ge3A_223 : f32 to vector<16xf32>
        %ge3A_225 = arith.cmpf oge, %sub3A_222, %ge3A_224 : vector<16xf32>
        %convert_element_type3A_226 = arith.fptosi %sub3A_222 : vector<16xf32> to vector<16xi32>
        %max3A_227 = arith.constant 0 : i32
        %max3A_228 = vector.broadcast %max3A_227 : i32 to vector<16xi32>
        %max3A_229 = arith.maxsi %convert_element_type3A_226, %max3A_228 : vector<16xi32>
        %mul3A_230 = arith.constant 0.346422553 : f32
        %mul3A_231 = vector.broadcast %mul3A_230 : f32 to vector<16xf32>
        %mul3A_232 = arith.mulf %gather3A_214, %mul3A_231 : vector<16xf32>
        %exp3A_233 = math.exp %mul3A_232 : vector<16xf32>
        %mul3A_234 = arith.constant 16 : i32
        %mul3A_235 = vector.broadcast %mul3A_234 : i32 to vector<16xi32>
        %mul3A_236 = arith.muli %max3A_229, %mul3A_235 : vector<16xi32>
        %add3A_237 = arith.addi %mul3A_236, %iota3A : vector<16xi32>
        tpu.vector_store_idx %arg9[%add3A_237], %exp3A_233 masked %ge3A_225 {add = true} : memref<8192xf32, #tpu.memory_space<vmem>>[vector<16xi32>], vector<16xf32>, vector<16xi1>
        tpu.vector_store_idx %arg10[%add3A_237], %broadcast_in_dim3A_6 masked %ge3A_225 {add = true} : memref<8192xf32, #tpu.memory_space<vmem>>[vector<16xi32>], vector<16xf32>, vector<16xi1>
        %add3A_238 = arith.constant 0 : i32
        %add3A_239 = vector.broadcast %add3A_238 : i32 to vector<16xi32>
        %add3A_240 = arith.addi %add3A_213, %add3A_239 : vector<16xi32>
        %gather3A_241 = tpu.vector_load_idx %arg7[%add3A_240] : memref<24576xf32, #tpu.memory_space<vmem>>[vector<16xi32>], vector<16xf32>,
        %mul3A_242 = arith.mulf %gather3A_241, %exp3A_233 : vector<16xf32>
        %add3A_243 = arith.constant 0 : i32
        %add3A_244 = vector.broadcast %add3A_243 : i32 to vector<16xi32>
        %add3A_245 = arith.addi %add3A_237, %add3A_244 : vector<16xi32>
        tpu.vector_store_idx %arg8[%add3A_245], %mul3A_242 masked %ge3A_225 {add = true} : memref<24576xf32, #tpu.memory_space<vmem>>[vector<16xi32>], vector<16xf32>, vector<16xi1>
        %add3A_246 = arith.constant 8192 : i32
        %add3A_247 = vector.broadcast %add3A_246 : i32 to vector<16xi32>
        %add3A_248 = arith.addi %add3A_213, %add3A_247 : vector<16xi32>
        %gather3A_249 = tpu.vector_load_idx %arg7[%add3A_248] : memref<24576xf32, #tpu.memory_space<vmem>>[vector<16xi32>], vector<16xf32>,
        %mul3A_250 = arith.mulf %gather3A_249, %exp3A_233 : vector<16xf32>
        %add3A_251 = arith.constant 8192 : i32
        %add3A_252 = vector.broadcast %add3A_251 : i32 to vector<16xi32>
        %add3A_253 = arith.addi %add3A_237, %add3A_252 : vector<16xi32>
        tpu.vector_store_idx %arg8[%add3A_253], %mul3A_250 masked %ge3A_225 {add = true} : memref<24576xf32, #tpu.memory_space<vmem>>[vector<16xi32>], vector<16xf32>, vector<16xi1>
        %add3A_254 = arith.constant 16384 : i32
        %add3A_255 = vector.broadcast %add3A_254 : i32 to vector<16xi32>
        %add3A_256 = arith.addi %add3A_213, %add3A_255 : vector<16xi32>
        %gather3A_257 = tpu.vector_load_idx %arg7[%add3A_256] : memref<24576xf32, #tpu.memory_space<vmem>>[vector<16xi32>], vector<16xf32>,
        %mul3A_258 = arith.mulf %gather3A_257, %exp3A_233 : vector<16xf32>
        %add3A_259 = arith.constant 16384 : i32
        %add3A_260 = vector.broadcast %add3A_259 : i32 to vector<16xi32>
        %add3A_261 = arith.addi %add3A_237, %add3A_260 : vector<16xi32>
        tpu.vector_store_idx %arg8[%add3A_261], %mul3A_258 masked %ge3A_225 {add = true} : memref<24576xf32, #tpu.memory_space<vmem>>[vector<16xi32>], vector<16xf32>, vector<16xi1>
        %mul3A_262 = arith.constant 4 : i32
        %mul3A_263 = arith.muli %scan3A_91, %mul3A_262 : i32
        %add3A_264 = arith.constant 3 : i32
        %add3A_265 = arith.addi %mul3A_263, %add3A_264 : i32
        %add3A_266 = vector.broadcast %add3A_265 : i32 to vector<16xi32>
        %add3A_267 = arith.addi %iota3A, %add3A_266 : vector<16xi32>
        %and3A_268 = arith.constant 511 : i32
        %and3A_269 = vector.broadcast %and3A_268 : i32 to vector<16xi32>
        %and3A_270 = arith.andi %add3A_267, %and3A_269 : vector<16xi32>
        %add3A_271 = arith.addi %mul3A_3, %and3A_270 : vector<16xi32>
        %gather3A_272 = tpu.vector_load_idx %arg6[%add3A_271] : memref<8192xf32, #tpu.memory_space<vmem>>[vector<16xi32>], vector<16xf32>,
        %convert_element_type3A_273 = arith.sitofp %and3A_270 : vector<16xi32> to vector<16xf32>
        %sub3A_274 = arith.subf %convert_element_type3A_273, %gather3A_272 : vector<16xf32>
        %add3A_275 = arith.constant 0x4B400000 : f32
        %add3A_276 = vector.broadcast %add3A_275 : f32 to vector<16xf32>
        %add3A_277 = arith.addf %sub3A_274, %add3A_276 : vector<16xf32>
        %sub3A_278 = arith.constant 0x4B400000 : f32
        %sub3A_279 = vector.broadcast %sub3A_278 : f32 to vector<16xf32>
        %sub3A_280 = arith.subf %add3A_277, %sub3A_279 : vector<16xf32>
        %ge3A_281 = arith.constant 0.000000e+00 : f32
        %ge3A_282 = vector.broadcast %ge3A_281 : f32 to vector<16xf32>
        %ge3A_283 = arith.cmpf oge, %sub3A_280, %ge3A_282 : vector<16xf32>
        %convert_element_type3A_284 = arith.fptosi %sub3A_280 : vector<16xf32> to vector<16xi32>
        %max3A_285 = arith.constant 0 : i32
        %max3A_286 = vector.broadcast %max3A_285 : i32 to vector<16xi32>
        %max3A_287 = arith.maxsi %convert_element_type3A_284, %max3A_286 : vector<16xi32>
        %mul3A_288 = arith.constant 0.346422553 : f32
        %mul3A_289 = vector.broadcast %mul3A_288 : f32 to vector<16xf32>
        %mul3A_290 = arith.mulf %gather3A_272, %mul3A_289 : vector<16xf32>
        %exp3A_291 = math.exp %mul3A_290 : vector<16xf32>
        %mul3A_292 = arith.constant 16 : i32
        %mul3A_293 = vector.broadcast %mul3A_292 : i32 to vector<16xi32>
        %mul3A_294 = arith.muli %max3A_287, %mul3A_293 : vector<16xi32>
        %add3A_295 = arith.addi %mul3A_294, %iota3A : vector<16xi32>
        tpu.vector_store_idx %arg9[%add3A_295], %exp3A_291 masked %ge3A_283 {add = true} : memref<8192xf32, #tpu.memory_space<vmem>>[vector<16xi32>], vector<16xf32>, vector<16xi1>
        tpu.vector_store_idx %arg10[%add3A_295], %broadcast_in_dim3A_6 masked %ge3A_283 {add = true} : memref<8192xf32, #tpu.memory_space<vmem>>[vector<16xi32>], vector<16xf32>, vector<16xi1>
        %add3A_296 = arith.constant 0 : i32
        %add3A_297 = vector.broadcast %add3A_296 : i32 to vector<16xi32>
        %add3A_298 = arith.addi %add3A_271, %add3A_297 : vector<16xi32>
        %gather3A_299 = tpu.vector_load_idx %arg7[%add3A_298] : memref<24576xf32, #tpu.memory_space<vmem>>[vector<16xi32>], vector<16xf32>,
        %mul3A_300 = arith.mulf %gather3A_299, %exp3A_291 : vector<16xf32>
        %add3A_301 = arith.constant 0 : i32
        %add3A_302 = vector.broadcast %add3A_301 : i32 to vector<16xi32>
        %add3A_303 = arith.addi %add3A_295, %add3A_302 : vector<16xi32>
        tpu.vector_store_idx %arg8[%add3A_303], %mul3A_300 masked %ge3A_283 {add = true} : memref<24576xf32, #tpu.memory_space<vmem>>[vector<16xi32>], vector<16xf32>, vector<16xi1>
        %add3A_304 = arith.constant 8192 : i32
        %add3A_305 = vector.broadcast %add3A_304 : i32 to vector<16xi32>
        %add3A_306 = arith.addi %add3A_271, %add3A_305 : vector<16xi32>
        %gather3A_307 = tpu.vector_load_idx %arg7[%add3A_306] : memref<24576xf32, #tpu.memory_space<vmem>>[vector<16xi32>], vector<16xf32>,
        %mul3A_308 = arith.mulf %gather3A_307, %exp3A_291 : vector<16xf32>
        %add3A_309 = arith.constant 8192 : i32
        %add3A_310 = vector.broadcast %add3A_309 : i32 to vector<16xi32>
        %add3A_311 = arith.addi %add3A_295, %add3A_310 : vector<16xi32>
        tpu.vector_store_idx %arg8[%add3A_311], %mul3A_308 masked %ge3A_283 {add = true} : memref<24576xf32, #tpu.memory_space<vmem>>[vector<16xi32>], vector<16xf32>, vector<16xi1>
        %add3A_312 = arith.constant 16384 : i32
        %add3A_313 = vector.broadcast %add3A_312 : i32 to vector<16xi32>
        %add3A_314 = arith.addi %add3A_271, %add3A_313 : vector<16xi32>
        %gather3A_315 = tpu.vector_load_idx %arg7[%add3A_314] : memref<24576xf32, #tpu.memory_space<vmem>>[vector<16xi32>], vector<16xf32>,
        %mul3A_316 = arith.mulf %gather3A_315, %exp3A_291 : vector<16xf32>
        %add3A_317 = arith.constant 16384 : i32
        %add3A_318 = vector.broadcast %add3A_317 : i32 to vector<16xi32>
        %add3A_319 = arith.addi %add3A_295, %add3A_318 : vector<16xi32>
        tpu.vector_store_idx %arg8[%add3A_319], %mul3A_316 masked %ge3A_283 {add = true} : memref<24576xf32, #tpu.memory_space<vmem>>[vector<16xi32>], vector<16xf32>, vector<16xi1>
        %scan3A_320 = arith.constant 0 : i32
        scf.yield %scan3A_320 : i32
      }
      %scan3A_74 = arith.constant 128 : i32
      %scan3A_75 = arith.constant 0 : i32
      %scan3A_76 = arith.constant 0 : i32
      %scan3A_77 = arith.constant 128 : i32
      %scan3A_78 = arith.addi %scan3A_76, %scan3A_77 : i32
      %scan3A_79 = arith.constant 1 : i32
      %scan3A_80 = scf.for %scan3A_91 = %scan3A_76 to %scan3A_78 step %scan3A_79 iter_args(%scan3A_92 = %scan3A_75) -> (i32)  : i32 {
        %mul3A_93 = arith.constant 4 : i32
        %mul3A_94 = arith.muli %scan3A_91, %mul3A_93 : i32
        %add3A_95 = arith.constant 0 : i32
        %add3A_96 = arith.addi %mul3A_94, %add3A_95 : i32
        %add3A_97 = vector.broadcast %add3A_96 : i32 to vector<16xi32>
        %add3A_98 = arith.addi %iota3A, %add3A_97 : vector<16xi32>
        %and3A_99 = arith.constant 511 : i32
        %and3A_100 = vector.broadcast %and3A_99 : i32 to vector<16xi32>
        %and3A_101 = arith.andi %add3A_98, %and3A_100 : vector<16xi32>
        %mul3A_102 = arith.constant 16 : i32
        %mul3A_103 = vector.broadcast %mul3A_102 : i32 to vector<16xi32>
        %mul3A_104 = arith.muli %and3A_101, %mul3A_103 : vector<16xi32>
        %add3A_105 = arith.addi %mul3A_104, %iota3A : vector<16xi32>
        %gather3A = tpu.vector_load_idx %arg9[%add3A_105] : memref<8192xf32, #tpu.memory_space<vmem>>[vector<16xi32>], vector<16xf32>,
        %gather3A_106 = tpu.vector_load_idx %arg10[%add3A_105] : memref<8192xf32, #tpu.memory_space<vmem>>[vector<16xi32>], vector<16xf32>,
        tpu.vector_store_idx %arg9[%add3A_105], %broadcast_in_dim3A_4 : memref<8192xf32, #tpu.memory_space<vmem>>[vector<16xi32>], vector<16xf32>,
        tpu.vector_store_idx %arg10[%add3A_105], %broadcast_in_dim3A_4 : memref<8192xf32, #tpu.memory_space<vmem>>[vector<16xi32>], vector<16xf32>,
        %max3A = arith.constant 9.99999997E-7 : f32
        %max3A_107 = vector.broadcast %max3A : f32 to vector<16xf32>
        %max3A_108 = arith.maximumf %gather3A, %max3A_107 : vector<16xf32>
        %div3A_109 = arith.constant 1.000000e+00 : f32
        %div3A_110 = vector.broadcast %div3A_109 : f32 to vector<16xf32>
        %div3A_111 = arith.divf %div3A_110, %max3A_108 : vector<16xf32>
        %add3A_112 = arith.addi %mul3A_3, %and3A_101 : vector<16xi32>
        %min3A = arith.constant 1.000000e+00 : f32
        %min3A_113 = vector.broadcast %min3A : f32 to vector<16xf32>
        %min3A_114 = arith.minimumf %gather3A_106, %min3A_113 : vector<16xf32>
        %sub3A_115 = arith.constant 1.000000e+00 : f32
        %sub3A_116 = vector.broadcast %sub3A_115 : f32 to vector<16xf32>
        %sub3A_117 = arith.subf %sub3A_116, %min3A_114 : vector<16xf32>
        tpu.vector_store_idx %arg6[%add3A_112], %sub3A_117 : memref<8192xf32, #tpu.memory_space<vmem>>[vector<16xi32>], vector<16xf32>,
        %add3A_118 = arith.constant 0 : i32
        %add3A_119 = vector.broadcast %add3A_118 : i32 to vector<16xi32>
        %add3A_120 = arith.addi %add3A_105, %add3A_119 : vector<16xi32>
        %gather3A_121 = tpu.vector_load_idx %arg8[%add3A_120] : memref<24576xf32, #tpu.memory_space<vmem>>[vector<16xi32>], vector<16xf32>,
        %add3A_122 = arith.constant 0 : i32
        %add3A_123 = vector.broadcast %add3A_122 : i32 to vector<16xi32>
        %add3A_124 = arith.addi %add3A_105, %add3A_123 : vector<16xi32>
        tpu.vector_store_idx %arg8[%add3A_124], %broadcast_in_dim3A_4 : memref<24576xf32, #tpu.memory_space<vmem>>[vector<16xi32>], vector<16xf32>,
        %add3A_125 = arith.constant 0 : i32
        %add3A_126 = vector.broadcast %add3A_125 : i32 to vector<16xi32>
        %add3A_127 = arith.addi %add3A_112, %add3A_126 : vector<16xi32>
        %mul3A_128 = arith.mulf %gather3A_121, %div3A_111 : vector<16xf32>
        tpu.vector_store_idx %arg7[%add3A_127], %mul3A_128 : memref<24576xf32, #tpu.memory_space<vmem>>[vector<16xi32>], vector<16xf32>,
        %add3A_129 = arith.constant 8192 : i32
        %add3A_130 = vector.broadcast %add3A_129 : i32 to vector<16xi32>
        %add3A_131 = arith.addi %add3A_105, %add3A_130 : vector<16xi32>
        %gather3A_132 = tpu.vector_load_idx %arg8[%add3A_131] : memref<24576xf32, #tpu.memory_space<vmem>>[vector<16xi32>], vector<16xf32>,
        %add3A_133 = arith.constant 8192 : i32
        %add3A_134 = vector.broadcast %add3A_133 : i32 to vector<16xi32>
        %add3A_135 = arith.addi %add3A_105, %add3A_134 : vector<16xi32>
        tpu.vector_store_idx %arg8[%add3A_135], %broadcast_in_dim3A_4 : memref<24576xf32, #tpu.memory_space<vmem>>[vector<16xi32>], vector<16xf32>,
        %add3A_136 = arith.constant 8192 : i32
        %add3A_137 = vector.broadcast %add3A_136 : i32 to vector<16xi32>
        %add3A_138 = arith.addi %add3A_112, %add3A_137 : vector<16xi32>
        %mul3A_139 = arith.mulf %gather3A_132, %div3A_111 : vector<16xf32>
        tpu.vector_store_idx %arg7[%add3A_138], %mul3A_139 : memref<24576xf32, #tpu.memory_space<vmem>>[vector<16xi32>], vector<16xf32>,
        %add3A_140 = arith.constant 16384 : i32
        %add3A_141 = vector.broadcast %add3A_140 : i32 to vector<16xi32>
        %add3A_142 = arith.addi %add3A_105, %add3A_141 : vector<16xi32>
        %gather3A_143 = tpu.vector_load_idx %arg8[%add3A_142] : memref<24576xf32, #tpu.memory_space<vmem>>[vector<16xi32>], vector<16xf32>,
        %add3A_144 = arith.constant 16384 : i32
        %add3A_145 = vector.broadcast %add3A_144 : i32 to vector<16xi32>
        %add3A_146 = arith.addi %add3A_105, %add3A_145 : vector<16xi32>
        tpu.vector_store_idx %arg8[%add3A_146], %broadcast_in_dim3A_4 : memref<24576xf32, #tpu.memory_space<vmem>>[vector<16xi32>], vector<16xf32>,
        %add3A_147 = arith.constant 16384 : i32
        %add3A_148 = vector.broadcast %add3A_147 : i32 to vector<16xi32>
        %add3A_149 = arith.addi %add3A_112, %add3A_148 : vector<16xi32>
        %mul3A_150 = arith.mulf %gather3A_143, %div3A_111 : vector<16xf32>
        tpu.vector_store_idx %arg7[%add3A_149], %mul3A_150 : memref<24576xf32, #tpu.memory_space<vmem>>[vector<16xi32>], vector<16xf32>,
        %mul3A_151 = arith.constant 4 : i32
        %mul3A_152 = arith.muli %scan3A_91, %mul3A_151 : i32
        %add3A_153 = arith.constant 1 : i32
        %add3A_154 = arith.addi %mul3A_152, %add3A_153 : i32
        %add3A_155 = vector.broadcast %add3A_154 : i32 to vector<16xi32>
        %add3A_156 = arith.addi %iota3A, %add3A_155 : vector<16xi32>
        %and3A_157 = arith.constant 511 : i32
        %and3A_158 = vector.broadcast %and3A_157 : i32 to vector<16xi32>
        %and3A_159 = arith.andi %add3A_156, %and3A_158 : vector<16xi32>
        %mul3A_160 = arith.constant 16 : i32
        %mul3A_161 = vector.broadcast %mul3A_160 : i32 to vector<16xi32>
        %mul3A_162 = arith.muli %and3A_159, %mul3A_161 : vector<16xi32>
        %add3A_163 = arith.addi %mul3A_162, %iota3A : vector<16xi32>
        %gather3A_164 = tpu.vector_load_idx %arg9[%add3A_163] : memref<8192xf32, #tpu.memory_space<vmem>>[vector<16xi32>], vector<16xf32>,
        %gather3A_165 = tpu.vector_load_idx %arg10[%add3A_163] : memref<8192xf32, #tpu.memory_space<vmem>>[vector<16xi32>], vector<16xf32>,
        tpu.vector_store_idx %arg9[%add3A_163], %broadcast_in_dim3A_4 : memref<8192xf32, #tpu.memory_space<vmem>>[vector<16xi32>], vector<16xf32>,
        tpu.vector_store_idx %arg10[%add3A_163], %broadcast_in_dim3A_4 : memref<8192xf32, #tpu.memory_space<vmem>>[vector<16xi32>], vector<16xf32>,
        %max3A_166 = arith.constant 9.99999997E-7 : f32
        %max3A_167 = vector.broadcast %max3A_166 : f32 to vector<16xf32>
        %max3A_168 = arith.maximumf %gather3A_164, %max3A_167 : vector<16xf32>
        %div3A_169 = arith.constant 1.000000e+00 : f32
        %div3A_170 = vector.broadcast %div3A_169 : f32 to vector<16xf32>
        %div3A_171 = arith.divf %div3A_170, %max3A_168 : vector<16xf32>
        %add3A_172 = arith.addi %mul3A_3, %and3A_159 : vector<16xi32>
        %min3A_173 = arith.constant 1.000000e+00 : f32
        %min3A_174 = vector.broadcast %min3A_173 : f32 to vector<16xf32>
        %min3A_175 = arith.minimumf %gather3A_165, %min3A_174 : vector<16xf32>
        %sub3A_176 = arith.constant 1.000000e+00 : f32
        %sub3A_177 = vector.broadcast %sub3A_176 : f32 to vector<16xf32>
        %sub3A_178 = arith.subf %sub3A_177, %min3A_175 : vector<16xf32>
        tpu.vector_store_idx %arg6[%add3A_172], %sub3A_178 : memref<8192xf32, #tpu.memory_space<vmem>>[vector<16xi32>], vector<16xf32>,
        %add3A_179 = arith.constant 0 : i32
        %add3A_180 = vector.broadcast %add3A_179 : i32 to vector<16xi32>
        %add3A_181 = arith.addi %add3A_163, %add3A_180 : vector<16xi32>
        %gather3A_182 = tpu.vector_load_idx %arg8[%add3A_181] : memref<24576xf32, #tpu.memory_space<vmem>>[vector<16xi32>], vector<16xf32>,
        %add3A_183 = arith.constant 0 : i32
        %add3A_184 = vector.broadcast %add3A_183 : i32 to vector<16xi32>
        %add3A_185 = arith.addi %add3A_163, %add3A_184 : vector<16xi32>
        tpu.vector_store_idx %arg8[%add3A_185], %broadcast_in_dim3A_4 : memref<24576xf32, #tpu.memory_space<vmem>>[vector<16xi32>], vector<16xf32>,
        %add3A_186 = arith.constant 0 : i32
        %add3A_187 = vector.broadcast %add3A_186 : i32 to vector<16xi32>
        %add3A_188 = arith.addi %add3A_172, %add3A_187 : vector<16xi32>
        %mul3A_189 = arith.mulf %gather3A_182, %div3A_171 : vector<16xf32>
        tpu.vector_store_idx %arg7[%add3A_188], %mul3A_189 : memref<24576xf32, #tpu.memory_space<vmem>>[vector<16xi32>], vector<16xf32>,
        %add3A_190 = arith.constant 8192 : i32
        %add3A_191 = vector.broadcast %add3A_190 : i32 to vector<16xi32>
        %add3A_192 = arith.addi %add3A_163, %add3A_191 : vector<16xi32>
        %gather3A_193 = tpu.vector_load_idx %arg8[%add3A_192] : memref<24576xf32, #tpu.memory_space<vmem>>[vector<16xi32>], vector<16xf32>,
        %add3A_194 = arith.constant 8192 : i32
        %add3A_195 = vector.broadcast %add3A_194 : i32 to vector<16xi32>
        %add3A_196 = arith.addi %add3A_163, %add3A_195 : vector<16xi32>
        tpu.vector_store_idx %arg8[%add3A_196], %broadcast_in_dim3A_4 : memref<24576xf32, #tpu.memory_space<vmem>>[vector<16xi32>], vector<16xf32>,
        %add3A_197 = arith.constant 8192 : i32
        %add3A_198 = vector.broadcast %add3A_197 : i32 to vector<16xi32>
        %add3A_199 = arith.addi %add3A_172, %add3A_198 : vector<16xi32>
        %mul3A_200 = arith.mulf %gather3A_193, %div3A_171 : vector<16xf32>
        tpu.vector_store_idx %arg7[%add3A_199], %mul3A_200 : memref<24576xf32, #tpu.memory_space<vmem>>[vector<16xi32>], vector<16xf32>,
        %add3A_201 = arith.constant 16384 : i32
        %add3A_202 = vector.broadcast %add3A_201 : i32 to vector<16xi32>
        %add3A_203 = arith.addi %add3A_163, %add3A_202 : vector<16xi32>
        %gather3A_204 = tpu.vector_load_idx %arg8[%add3A_203] : memref<24576xf32, #tpu.memory_space<vmem>>[vector<16xi32>], vector<16xf32>,
        %add3A_205 = arith.constant 16384 : i32
        %add3A_206 = vector.broadcast %add3A_205 : i32 to vector<16xi32>
        %add3A_207 = arith.addi %add3A_163, %add3A_206 : vector<16xi32>
        tpu.vector_store_idx %arg8[%add3A_207], %broadcast_in_dim3A_4 : memref<24576xf32, #tpu.memory_space<vmem>>[vector<16xi32>], vector<16xf32>,
        %add3A_208 = arith.constant 16384 : i32
        %add3A_209 = vector.broadcast %add3A_208 : i32 to vector<16xi32>
        %add3A_210 = arith.addi %add3A_172, %add3A_209 : vector<16xi32>
        %mul3A_211 = arith.mulf %gather3A_204, %div3A_171 : vector<16xf32>
        tpu.vector_store_idx %arg7[%add3A_210], %mul3A_211 : memref<24576xf32, #tpu.memory_space<vmem>>[vector<16xi32>], vector<16xf32>,
        %mul3A_212 = arith.constant 4 : i32
        %mul3A_213 = arith.muli %scan3A_91, %mul3A_212 : i32
        %add3A_214 = arith.constant 2 : i32
        %add3A_215 = arith.addi %mul3A_213, %add3A_214 : i32
        %add3A_216 = vector.broadcast %add3A_215 : i32 to vector<16xi32>
        %add3A_217 = arith.addi %iota3A, %add3A_216 : vector<16xi32>
        %and3A_218 = arith.constant 511 : i32
        %and3A_219 = vector.broadcast %and3A_218 : i32 to vector<16xi32>
        %and3A_220 = arith.andi %add3A_217, %and3A_219 : vector<16xi32>
        %mul3A_221 = arith.constant 16 : i32
        %mul3A_222 = vector.broadcast %mul3A_221 : i32 to vector<16xi32>
        %mul3A_223 = arith.muli %and3A_220, %mul3A_222 : vector<16xi32>
        %add3A_224 = arith.addi %mul3A_223, %iota3A : vector<16xi32>
        %gather3A_225 = tpu.vector_load_idx %arg9[%add3A_224] : memref<8192xf32, #tpu.memory_space<vmem>>[vector<16xi32>], vector<16xf32>,
        %gather3A_226 = tpu.vector_load_idx %arg10[%add3A_224] : memref<8192xf32, #tpu.memory_space<vmem>>[vector<16xi32>], vector<16xf32>,
        tpu.vector_store_idx %arg9[%add3A_224], %broadcast_in_dim3A_4 : memref<8192xf32, #tpu.memory_space<vmem>>[vector<16xi32>], vector<16xf32>,
        tpu.vector_store_idx %arg10[%add3A_224], %broadcast_in_dim3A_4 : memref<8192xf32, #tpu.memory_space<vmem>>[vector<16xi32>], vector<16xf32>,
        %max3A_227 = arith.constant 9.99999997E-7 : f32
        %max3A_228 = vector.broadcast %max3A_227 : f32 to vector<16xf32>
        %max3A_229 = arith.maximumf %gather3A_225, %max3A_228 : vector<16xf32>
        %div3A_230 = arith.constant 1.000000e+00 : f32
        %div3A_231 = vector.broadcast %div3A_230 : f32 to vector<16xf32>
        %div3A_232 = arith.divf %div3A_231, %max3A_229 : vector<16xf32>
        %add3A_233 = arith.addi %mul3A_3, %and3A_220 : vector<16xi32>
        %min3A_234 = arith.constant 1.000000e+00 : f32
        %min3A_235 = vector.broadcast %min3A_234 : f32 to vector<16xf32>
        %min3A_236 = arith.minimumf %gather3A_226, %min3A_235 : vector<16xf32>
        %sub3A_237 = arith.constant 1.000000e+00 : f32
        %sub3A_238 = vector.broadcast %sub3A_237 : f32 to vector<16xf32>
        %sub3A_239 = arith.subf %sub3A_238, %min3A_236 : vector<16xf32>
        tpu.vector_store_idx %arg6[%add3A_233], %sub3A_239 : memref<8192xf32, #tpu.memory_space<vmem>>[vector<16xi32>], vector<16xf32>,
        %add3A_240 = arith.constant 0 : i32
        %add3A_241 = vector.broadcast %add3A_240 : i32 to vector<16xi32>
        %add3A_242 = arith.addi %add3A_224, %add3A_241 : vector<16xi32>
        %gather3A_243 = tpu.vector_load_idx %arg8[%add3A_242] : memref<24576xf32, #tpu.memory_space<vmem>>[vector<16xi32>], vector<16xf32>,
        %add3A_244 = arith.constant 0 : i32
        %add3A_245 = vector.broadcast %add3A_244 : i32 to vector<16xi32>
        %add3A_246 = arith.addi %add3A_224, %add3A_245 : vector<16xi32>
        tpu.vector_store_idx %arg8[%add3A_246], %broadcast_in_dim3A_4 : memref<24576xf32, #tpu.memory_space<vmem>>[vector<16xi32>], vector<16xf32>,
        %add3A_247 = arith.constant 0 : i32
        %add3A_248 = vector.broadcast %add3A_247 : i32 to vector<16xi32>
        %add3A_249 = arith.addi %add3A_233, %add3A_248 : vector<16xi32>
        %mul3A_250 = arith.mulf %gather3A_243, %div3A_232 : vector<16xf32>
        tpu.vector_store_idx %arg7[%add3A_249], %mul3A_250 : memref<24576xf32, #tpu.memory_space<vmem>>[vector<16xi32>], vector<16xf32>,
        %add3A_251 = arith.constant 8192 : i32
        %add3A_252 = vector.broadcast %add3A_251 : i32 to vector<16xi32>
        %add3A_253 = arith.addi %add3A_224, %add3A_252 : vector<16xi32>
        %gather3A_254 = tpu.vector_load_idx %arg8[%add3A_253] : memref<24576xf32, #tpu.memory_space<vmem>>[vector<16xi32>], vector<16xf32>,
        %add3A_255 = arith.constant 8192 : i32
        %add3A_256 = vector.broadcast %add3A_255 : i32 to vector<16xi32>
        %add3A_257 = arith.addi %add3A_224, %add3A_256 : vector<16xi32>
        tpu.vector_store_idx %arg8[%add3A_257], %broadcast_in_dim3A_4 : memref<24576xf32, #tpu.memory_space<vmem>>[vector<16xi32>], vector<16xf32>,
        %add3A_258 = arith.constant 8192 : i32
        %add3A_259 = vector.broadcast %add3A_258 : i32 to vector<16xi32>
        %add3A_260 = arith.addi %add3A_233, %add3A_259 : vector<16xi32>
        %mul3A_261 = arith.mulf %gather3A_254, %div3A_232 : vector<16xf32>
        tpu.vector_store_idx %arg7[%add3A_260], %mul3A_261 : memref<24576xf32, #tpu.memory_space<vmem>>[vector<16xi32>], vector<16xf32>,
        %add3A_262 = arith.constant 16384 : i32
        %add3A_263 = vector.broadcast %add3A_262 : i32 to vector<16xi32>
        %add3A_264 = arith.addi %add3A_224, %add3A_263 : vector<16xi32>
        %gather3A_265 = tpu.vector_load_idx %arg8[%add3A_264] : memref<24576xf32, #tpu.memory_space<vmem>>[vector<16xi32>], vector<16xf32>,
        %add3A_266 = arith.constant 16384 : i32
        %add3A_267 = vector.broadcast %add3A_266 : i32 to vector<16xi32>
        %add3A_268 = arith.addi %add3A_224, %add3A_267 : vector<16xi32>
        tpu.vector_store_idx %arg8[%add3A_268], %broadcast_in_dim3A_4 : memref<24576xf32, #tpu.memory_space<vmem>>[vector<16xi32>], vector<16xf32>,
        %add3A_269 = arith.constant 16384 : i32
        %add3A_270 = vector.broadcast %add3A_269 : i32 to vector<16xi32>
        %add3A_271 = arith.addi %add3A_233, %add3A_270 : vector<16xi32>
        %mul3A_272 = arith.mulf %gather3A_265, %div3A_232 : vector<16xf32>
        tpu.vector_store_idx %arg7[%add3A_271], %mul3A_272 : memref<24576xf32, #tpu.memory_space<vmem>>[vector<16xi32>], vector<16xf32>,
        %mul3A_273 = arith.constant 4 : i32
        %mul3A_274 = arith.muli %scan3A_91, %mul3A_273 : i32
        %add3A_275 = arith.constant 3 : i32
        %add3A_276 = arith.addi %mul3A_274, %add3A_275 : i32
        %add3A_277 = vector.broadcast %add3A_276 : i32 to vector<16xi32>
        %add3A_278 = arith.addi %iota3A, %add3A_277 : vector<16xi32>
        %and3A_279 = arith.constant 511 : i32
        %and3A_280 = vector.broadcast %and3A_279 : i32 to vector<16xi32>
        %and3A_281 = arith.andi %add3A_278, %and3A_280 : vector<16xi32>
        %mul3A_282 = arith.constant 16 : i32
        %mul3A_283 = vector.broadcast %mul3A_282 : i32 to vector<16xi32>
        %mul3A_284 = arith.muli %and3A_281, %mul3A_283 : vector<16xi32>
        %add3A_285 = arith.addi %mul3A_284, %iota3A : vector<16xi32>
        %gather3A_286 = tpu.vector_load_idx %arg9[%add3A_285] : memref<8192xf32, #tpu.memory_space<vmem>>[vector<16xi32>], vector<16xf32>,
        %gather3A_287 = tpu.vector_load_idx %arg10[%add3A_285] : memref<8192xf32, #tpu.memory_space<vmem>>[vector<16xi32>], vector<16xf32>,
        tpu.vector_store_idx %arg9[%add3A_285], %broadcast_in_dim3A_4 : memref<8192xf32, #tpu.memory_space<vmem>>[vector<16xi32>], vector<16xf32>,
        tpu.vector_store_idx %arg10[%add3A_285], %broadcast_in_dim3A_4 : memref<8192xf32, #tpu.memory_space<vmem>>[vector<16xi32>], vector<16xf32>,
        %max3A_288 = arith.constant 9.99999997E-7 : f32
        %max3A_289 = vector.broadcast %max3A_288 : f32 to vector<16xf32>
        %max3A_290 = arith.maximumf %gather3A_286, %max3A_289 : vector<16xf32>
        %div3A_291 = arith.constant 1.000000e+00 : f32
        %div3A_292 = vector.broadcast %div3A_291 : f32 to vector<16xf32>
        %div3A_293 = arith.divf %div3A_292, %max3A_290 : vector<16xf32>
        %add3A_294 = arith.addi %mul3A_3, %and3A_281 : vector<16xi32>
        %min3A_295 = arith.constant 1.000000e+00 : f32
        %min3A_296 = vector.broadcast %min3A_295 : f32 to vector<16xf32>
        %min3A_297 = arith.minimumf %gather3A_287, %min3A_296 : vector<16xf32>
        %sub3A_298 = arith.constant 1.000000e+00 : f32
        %sub3A_299 = vector.broadcast %sub3A_298 : f32 to vector<16xf32>
        %sub3A_300 = arith.subf %sub3A_299, %min3A_297 : vector<16xf32>
        tpu.vector_store_idx %arg6[%add3A_294], %sub3A_300 : memref<8192xf32, #tpu.memory_space<vmem>>[vector<16xi32>], vector<16xf32>,
        %add3A_301 = arith.constant 0 : i32
        %add3A_302 = vector.broadcast %add3A_301 : i32 to vector<16xi32>
        %add3A_303 = arith.addi %add3A_285, %add3A_302 : vector<16xi32>
        %gather3A_304 = tpu.vector_load_idx %arg8[%add3A_303] : memref<24576xf32, #tpu.memory_space<vmem>>[vector<16xi32>], vector<16xf32>,
        %add3A_305 = arith.constant 0 : i32
        %add3A_306 = vector.broadcast %add3A_305 : i32 to vector<16xi32>
        %add3A_307 = arith.addi %add3A_285, %add3A_306 : vector<16xi32>
        tpu.vector_store_idx %arg8[%add3A_307], %broadcast_in_dim3A_4 : memref<24576xf32, #tpu.memory_space<vmem>>[vector<16xi32>], vector<16xf32>,
        %add3A_308 = arith.constant 0 : i32
        %add3A_309 = vector.broadcast %add3A_308 : i32 to vector<16xi32>
        %add3A_310 = arith.addi %add3A_294, %add3A_309 : vector<16xi32>
        %mul3A_311 = arith.mulf %gather3A_304, %div3A_293 : vector<16xf32>
        tpu.vector_store_idx %arg7[%add3A_310], %mul3A_311 : memref<24576xf32, #tpu.memory_space<vmem>>[vector<16xi32>], vector<16xf32>,
        %add3A_312 = arith.constant 8192 : i32
        %add3A_313 = vector.broadcast %add3A_312 : i32 to vector<16xi32>
        %add3A_314 = arith.addi %add3A_285, %add3A_313 : vector<16xi32>
        %gather3A_315 = tpu.vector_load_idx %arg8[%add3A_314] : memref<24576xf32, #tpu.memory_space<vmem>>[vector<16xi32>], vector<16xf32>,
        %add3A_316 = arith.constant 8192 : i32
        %add3A_317 = vector.broadcast %add3A_316 : i32 to vector<16xi32>
        %add3A_318 = arith.addi %add3A_285, %add3A_317 : vector<16xi32>
        tpu.vector_store_idx %arg8[%add3A_318], %broadcast_in_dim3A_4 : memref<24576xf32, #tpu.memory_space<vmem>>[vector<16xi32>], vector<16xf32>,
        %add3A_319 = arith.constant 8192 : i32
        %add3A_320 = vector.broadcast %add3A_319 : i32 to vector<16xi32>
        %add3A_321 = arith.addi %add3A_294, %add3A_320 : vector<16xi32>
        %mul3A_322 = arith.mulf %gather3A_315, %div3A_293 : vector<16xf32>
        tpu.vector_store_idx %arg7[%add3A_321], %mul3A_322 : memref<24576xf32, #tpu.memory_space<vmem>>[vector<16xi32>], vector<16xf32>,
        %add3A_323 = arith.constant 16384 : i32
        %add3A_324 = vector.broadcast %add3A_323 : i32 to vector<16xi32>
        %add3A_325 = arith.addi %add3A_285, %add3A_324 : vector<16xi32>
        %gather3A_326 = tpu.vector_load_idx %arg8[%add3A_325] : memref<24576xf32, #tpu.memory_space<vmem>>[vector<16xi32>], vector<16xf32>,
        %add3A_327 = arith.constant 16384 : i32
        %add3A_328 = vector.broadcast %add3A_327 : i32 to vector<16xi32>
        %add3A_329 = arith.addi %add3A_285, %add3A_328 : vector<16xi32>
        tpu.vector_store_idx %arg8[%add3A_329], %broadcast_in_dim3A_4 : memref<24576xf32, #tpu.memory_space<vmem>>[vector<16xi32>], vector<16xf32>,
        %add3A_330 = arith.constant 16384 : i32
        %add3A_331 = vector.broadcast %add3A_330 : i32 to vector<16xi32>
        %add3A_332 = arith.addi %add3A_294, %add3A_331 : vector<16xi32>
        %mul3A_333 = arith.mulf %gather3A_326, %div3A_293 : vector<16xf32>
        tpu.vector_store_idx %arg7[%add3A_332], %mul3A_333 : memref<24576xf32, #tpu.memory_space<vmem>>[vector<16xi32>], vector<16xf32>,
        %scan3A_334 = arith.constant 0 : i32
        scf.yield %scan3A_334 : i32
      }
      %scan3A_81 = arith.constant 128 : i32
      %mul3A_82 = arith.constant 8192 : i32
      %mul3A_83 = arith.muli %add3A_24, %mul3A_82 : i32
      "tpu.region"() ({
        %run_scoped3A = tpu.sem_alloc : memref<!tpu.dma_semaphore, #tpu.memory_space<semaphore_mem>>
        %dma_start3A = tpu.memref_slice %arg5[%mul3A_83] : memref<1572864xf32, #tpu.memory_space<hbm>> -> memref<8192xf32, #tpu.memory_space<hbm>>
        %dma_start3A_91 = tpu.memref_slice %arg5[%mul3A_83] : memref<1572864xf32, #tpu.memory_space<hbm>> -> memref<8192xf32, #tpu.memory_space<hbm>>
        tpu.enqueue_dma source(%arg6 : memref<8192xf32, #tpu.memory_space<vmem>>) target(%dma_start3A_91 : memref<8192xf32, #tpu.memory_space<hbm>>) target_semaphore(%run_scoped3A : memref<!tpu.dma_semaphore, #tpu.memory_space<semaphore_mem>>)
        %dma_wait3A = tpu.memref_slice %arg5[%mul3A_83] : memref<1572864xf32, #tpu.memory_space<hbm>> -> memref<8192xf32, #tpu.memory_space<hbm>>
        %dma_wait3A_92 = tpu.memref_slice %arg5[%mul3A_83] : memref<1572864xf32, #tpu.memory_space<hbm>> -> memref<8192xf32, #tpu.memory_space<hbm>>
        tpu.wait_dma2 semaphore(%run_scoped3A : memref<!tpu.dma_semaphore, #tpu.memory_space<semaphore_mem>>) src(%arg6 : memref<8192xf32, #tpu.memory_space<vmem>>) dst(%dma_wait3A_92 : memref<8192xf32, #tpu.memory_space<hbm>>)
        tpu.yield
      }) : () -> ()
      %add3A_84 = arith.constant 0 : i32
      %add3A_85 = arith.addi %add3A_59, %add3A_84 : i32
      "tpu.region"() ({
        %run_scoped3A = tpu.sem_alloc : memref<!tpu.dma_semaphore, #tpu.memory_space<semaphore_mem>>
        %dma_start3A = arith.constant 0 : i32
        %dma_start3A_91 = tpu.memref_slice %arg7[%dma_start3A] : memref<24576xf32, #tpu.memory_space<vmem>> -> memref<8192xf32, #tpu.memory_space<vmem>>
        %dma_start3A_92 = tpu.memref_slice %arg4[%add3A_85] : memref<4718592xf32, #tpu.memory_space<hbm>> -> memref<8192xf32, #tpu.memory_space<hbm>>
        %dma_start3A_93 = tpu.memref_slice %arg4[%add3A_85] : memref<4718592xf32, #tpu.memory_space<hbm>> -> memref<8192xf32, #tpu.memory_space<hbm>>
        %dma_start3A_94 = arith.constant 0 : i32
        %dma_start3A_95 = tpu.memref_slice %arg7[%dma_start3A_94] : memref<24576xf32, #tpu.memory_space<vmem>> -> memref<8192xf32, #tpu.memory_space<vmem>>
        tpu.enqueue_dma source(%dma_start3A_95 : memref<8192xf32, #tpu.memory_space<vmem>>) target(%dma_start3A_93 : memref<8192xf32, #tpu.memory_space<hbm>>) target_semaphore(%run_scoped3A : memref<!tpu.dma_semaphore, #tpu.memory_space<semaphore_mem>>)
        %dma_wait3A = arith.constant 0 : i32
        %dma_wait3A_96 = tpu.memref_slice %arg7[%dma_wait3A] : memref<24576xf32, #tpu.memory_space<vmem>> -> memref<8192xf32, #tpu.memory_space<vmem>>
        %dma_wait3A_97 = tpu.memref_slice %arg4[%add3A_85] : memref<4718592xf32, #tpu.memory_space<hbm>> -> memref<8192xf32, #tpu.memory_space<hbm>>
        %dma_wait3A_98 = tpu.memref_slice %arg4[%add3A_85] : memref<4718592xf32, #tpu.memory_space<hbm>> -> memref<8192xf32, #tpu.memory_space<hbm>>
        %dma_wait3A_99 = arith.constant 0 : i32
        %dma_wait3A_100 = tpu.memref_slice %arg7[%dma_wait3A_99] : memref<24576xf32, #tpu.memory_space<vmem>> -> memref<8192xf32, #tpu.memory_space<vmem>>
        tpu.wait_dma2 semaphore(%run_scoped3A : memref<!tpu.dma_semaphore, #tpu.memory_space<semaphore_mem>>) src(%dma_wait3A_100 : memref<8192xf32, #tpu.memory_space<vmem>>) dst(%dma_wait3A_98 : memref<8192xf32, #tpu.memory_space<hbm>>)
        tpu.yield
      }) : () -> ()
      %add3A_86 = arith.constant 196608 : i32
      %add3A_87 = arith.addi %add3A_59, %add3A_86 : i32
      "tpu.region"() ({
        %run_scoped3A = tpu.sem_alloc : memref<!tpu.dma_semaphore, #tpu.memory_space<semaphore_mem>>
        %dma_start3A = arith.constant 8192 : i32
        %dma_start3A_91 = tpu.memref_slice %arg7[%dma_start3A] : memref<24576xf32, #tpu.memory_space<vmem>> -> memref<8192xf32, #tpu.memory_space<vmem>>
        %dma_start3A_92 = tpu.memref_slice %arg4[%add3A_87] : memref<4718592xf32, #tpu.memory_space<hbm>> -> memref<8192xf32, #tpu.memory_space<hbm>>
        %dma_start3A_93 = tpu.memref_slice %arg4[%add3A_87] : memref<4718592xf32, #tpu.memory_space<hbm>> -> memref<8192xf32, #tpu.memory_space<hbm>>
        %dma_start3A_94 = arith.constant 8192 : i32
        %dma_start3A_95 = tpu.memref_slice %arg7[%dma_start3A_94] : memref<24576xf32, #tpu.memory_space<vmem>> -> memref<8192xf32, #tpu.memory_space<vmem>>
        tpu.enqueue_dma source(%dma_start3A_95 : memref<8192xf32, #tpu.memory_space<vmem>>) target(%dma_start3A_93 : memref<8192xf32, #tpu.memory_space<hbm>>) target_semaphore(%run_scoped3A : memref<!tpu.dma_semaphore, #tpu.memory_space<semaphore_mem>>)
        %dma_wait3A = arith.constant 8192 : i32
        %dma_wait3A_96 = tpu.memref_slice %arg7[%dma_wait3A] : memref<24576xf32, #tpu.memory_space<vmem>> -> memref<8192xf32, #tpu.memory_space<vmem>>
        %dma_wait3A_97 = tpu.memref_slice %arg4[%add3A_87] : memref<4718592xf32, #tpu.memory_space<hbm>> -> memref<8192xf32, #tpu.memory_space<hbm>>
        %dma_wait3A_98 = tpu.memref_slice %arg4[%add3A_87] : memref<4718592xf32, #tpu.memory_space<hbm>> -> memref<8192xf32, #tpu.memory_space<hbm>>
        %dma_wait3A_99 = arith.constant 8192 : i32
        %dma_wait3A_100 = tpu.memref_slice %arg7[%dma_wait3A_99] : memref<24576xf32, #tpu.memory_space<vmem>> -> memref<8192xf32, #tpu.memory_space<vmem>>
        tpu.wait_dma2 semaphore(%run_scoped3A : memref<!tpu.dma_semaphore, #tpu.memory_space<semaphore_mem>>) src(%dma_wait3A_100 : memref<8192xf32, #tpu.memory_space<vmem>>) dst(%dma_wait3A_98 : memref<8192xf32, #tpu.memory_space<hbm>>)
        tpu.yield
      }) : () -> ()
      %add3A_88 = arith.constant 393216 : i32
      %add3A_89 = arith.addi %add3A_59, %add3A_88 : i32
      "tpu.region"() ({
        %run_scoped3A = tpu.sem_alloc : memref<!tpu.dma_semaphore, #tpu.memory_space<semaphore_mem>>
        %dma_start3A = arith.constant 16384 : i32
        %dma_start3A_91 = tpu.memref_slice %arg7[%dma_start3A] : memref<24576xf32, #tpu.memory_space<vmem>> -> memref<8192xf32, #tpu.memory_space<vmem>>
        %dma_start3A_92 = tpu.memref_slice %arg4[%add3A_89] : memref<4718592xf32, #tpu.memory_space<hbm>> -> memref<8192xf32, #tpu.memory_space<hbm>>
        %dma_start3A_93 = tpu.memref_slice %arg4[%add3A_89] : memref<4718592xf32, #tpu.memory_space<hbm>> -> memref<8192xf32, #tpu.memory_space<hbm>>
        %dma_start3A_94 = arith.constant 16384 : i32
        %dma_start3A_95 = tpu.memref_slice %arg7[%dma_start3A_94] : memref<24576xf32, #tpu.memory_space<vmem>> -> memref<8192xf32, #tpu.memory_space<vmem>>
        tpu.enqueue_dma source(%dma_start3A_95 : memref<8192xf32, #tpu.memory_space<vmem>>) target(%dma_start3A_93 : memref<8192xf32, #tpu.memory_space<hbm>>) target_semaphore(%run_scoped3A : memref<!tpu.dma_semaphore, #tpu.memory_space<semaphore_mem>>)
        %dma_wait3A = arith.constant 16384 : i32
        %dma_wait3A_96 = tpu.memref_slice %arg7[%dma_wait3A] : memref<24576xf32, #tpu.memory_space<vmem>> -> memref<8192xf32, #tpu.memory_space<vmem>>
        %dma_wait3A_97 = tpu.memref_slice %arg4[%add3A_89] : memref<4718592xf32, #tpu.memory_space<hbm>> -> memref<8192xf32, #tpu.memory_space<hbm>>
        %dma_wait3A_98 = tpu.memref_slice %arg4[%add3A_89] : memref<4718592xf32, #tpu.memory_space<hbm>> -> memref<8192xf32, #tpu.memory_space<hbm>>
        %dma_wait3A_99 = arith.constant 16384 : i32
        %dma_wait3A_100 = tpu.memref_slice %arg7[%dma_wait3A_99] : memref<24576xf32, #tpu.memory_space<vmem>> -> memref<8192xf32, #tpu.memory_space<vmem>>
        tpu.wait_dma2 semaphore(%run_scoped3A : memref<!tpu.dma_semaphore, #tpu.memory_space<semaphore_mem>>) src(%dma_wait3A_100 : memref<8192xf32, #tpu.memory_space<vmem>>) dst(%dma_wait3A_98 : memref<8192xf32, #tpu.memory_space<hbm>>)
        tpu.yield
      }) : () -> ()
      %scan3A_90 = arith.constant 0 : i32
      scf.yield %scan3A_90 : i32
    }
    %scan3A_19 = arith.constant 6 : i32
    return
  }
}

</mosaic_0001>

<sc_bundles>
// kernel: kernel.3.cloned.1.call-start
scs
__scs_entry_jumppad:
0x0: {  	(pc) =	sbr.rel $0x88, $3  }
0x1: {  	(tag) =	ssettag $0x0;
	lr =	simm.s32 $0x1  }
0x2: {  	[smem:$0x3F9F] =	sst lr;
	_ =	strace $0xD0000000  }
0x3: {  	_ = 	snop  }
0x4: {  	_ = 	snop  }
0x5: {  	_ = 	snop  }
0x6: {  	_ = 	snop  }
0x7: {  	_ = 	snop  }
__scs_overlays_trampoline_lowered:
0x8: {  	[smem:$0x3FAE] =	sst s0  }
0x9: {  	[smem:$0x3FAF] =	sst s1  }
0xa: {  	[smem:$0x3FB0] =	sst s2  }
0xb: {  	[smem:$0x3FB1] =	sst s3  }
0xc: {  	[smem:$0x3FB2] =	sst s4  }
0xd: {  	[smem:$0x3FB3] =	sst s5  }
0xe: {  	[smem:$0x3FB4] =	sst s6  }
0xf: {  	[smem:$0x3FB5] =	sst s7  }
0x10: {  	[smem:$0x3FB6] =	sst s8  }
0x11: {  	[smem:$0x3FB7] =	sst s9;
	s0 =	simm.s32 @!p0 $0x0  }
0x12: {  	s1 =	sld [smem:$0x3F9D];
	s0 =	simm.s32 @p0 $0x1  }
0x13: {  	[smem:$0x3FB8] =	sst s0;
	s0 =	simm.s32 @!p1 $0x0  }
0x14: {  	s2 =	sld [smem:$0x3F9C];
	s0 =	simm.s32 @p1 $0x1  }
0x15: {  	[smem:$0x3FB9] =	sst s0;
	s0 =	simm.s32 @!p2 $0x0  }
0x16: {  	s3 =	sld [smem:$0x3FDB];
	s0 =	simm.s32 @p2 $0x1  }
0x17: {  	s4 =	simm.s32 $0x1BF5;
	[smem:$0x3FBB] =	sst s0  }
0x18: {  	s0 =	sld [smem:$0x3F9E];
	_ =	swait.ge [sflag:s4], $0x0  }
0x19: {  	s7 =	sld [smem:$0x3F9F]  }
0x1a: {  	s8 =	sadd.s32 $0xFFFFE003, lr  }
0x1b: {  	s9 =	sadd.s32 $0xFFFFFEF7, lr;
	s5 =	simm.s32 $0xFFFFFFFF;
	p2 =	slt.u32 s8, $0xFFFFF086  }
0x1c: {  	p1 =	slt.u32 s9, $0xF7A;
	s5 =	simm.s32 @!p2 $0x0  }
0x1d: {  	s5 =	simm.s32 @p1 $0x1;
	p0 =	seq.s32 s7, s2  }
0x1e: {  	s7 =	smul.u32 @!p0 $0xF7A, s2;
	p2 =	seq.s32 @!p0 s5, $0x0  }
0x1f: {  	s9 =	smul.u32 $0xF7A, s1;
	s8 =	simm.s32 @!p0 $0x1BF5;
	p2 =	por !p2, p0  }
0x20: {  	[sflag:s8] =	ssyncset.s32 @!p0 $0xFFFFF086;
	s6 =	sadd.s32 @!p0 s3, s7;
	s7 =	simm.s32 @!p0 $0x108  }
0x21: {  	s3 =	sadd.s32 s3, s9;
	s6 =	sadd.s32 @!p0 $0x88, s6;
	s7 =	simm.s32 @p2 $0x1082  }
0x22: {  	[simem:s7], [sflag:s8] =	dma.local @!p0 [hbm:s6], $0xF7A  }
0x23: {  	s9 =	sor.u32 $0xD0000000, s2;
	s6 =	simm.s32 $0x108;
	_ =	swait.ge @!p0 [sflag:s8], $0x0  }
0x24: {  	s3 =	sadd.s32 $0x88, s3;
	s6 =	simm.s32 @!p1 $0x1082;
	[sflag:s4] =	ssyncset.s32 $0xFFFFF086  }
0x25: {  	[simem:s6], [sflag:s4] =	dma.local [hbm:s3], $0xF7A  }
0x26: {  	[smem:$0x3F9F] =	sst s1;
	(tag) =	ssettag s2;
	_ =	strace s9  }
0x27: {  	s1 =	sld [smem:$0x3FAF]  }
0x28: {  	s2 =	sld [smem:$0x3FB0]  }
0x29: {  	s4 =	sld [smem:$0x3FB2]  }
0x2a: {  	p0 =	seq.s32 s5, $0x0;
	s5 =	sld [smem:$0x3FB3]  }
0x2b: {  	s6 =	sld [smem:$0x3FB4]  }
0x2c: {  	s7 =	sld [smem:$0x3FB5]  }
0x2d: {  	s3 =	simm.s32 $0x108;
	s8 =	sld [smem:$0x3FB6]  }
0x2e: {  	s3 =	simm.s32 @!p0 $0x1082;
	s9 =	sld [smem:$0x3FB7]  }
0x2f: {  	lr =	sadd.s32 s0, s3;
	s0 =	sld [smem:$0x3FAE]  }
0x30: {  	s3 =	sld [smem:$0x3FB1]  }
0x31: {  	[smem:$0x3FBA] =	sst s10  }
0x32: {  	s10 =	sld [smem:$0x3FB8];
	_ =	sdelay $0x3  }
0x33: {  	p0 =	seq.s32 s10, $0x1;
	s10 =	sld [smem:$0x3FBA];
	_ =	sdelay $0x3  }
0x34: {  	[smem:$0x3FBA] =	sst s10  }
0x35: {  	s10 =	sld [smem:$0x3FB9];
	_ =	sdelay $0x3  }
0x36: {  	p1 =	seq.s32 s10, $0x1;
	s10 =	sld [smem:$0x3FBA];
	_ =	sdelay $0x3  }
0x37: {  	[smem:$0x3FBA] =	sst s10  }
0x38: {  	s10 =	sld [smem:$0x3FBB]  }
0x39: {  	_ = 	snop;
	(pc) =	sbr.ind lr, $3  }
0x3a: {  	_ = 	snop  }
0x3b: {  	_ = 	snop  }
0x3c: {  	p2 =	seq.s32 s10, $0x1;
	s10 =	sld [smem:$0x3FBA]  }
0x3d: {  	_ =	shalt  }
0x3e: {  	_ =	shalt  }
0x3f: {  	_ =	shalt  }
0x40: {  	_ =	shalt  }
0x41: {  	_ =	shalt  }
0x42: {  	_ =	shalt  }
0x43: {  	_ =	shalt  }
0x44: {  	_ =	shalt  }
0x45: {  	_ =	shalt  }
0x46: {  	_ =	shalt  }
0x47: {  	_ =	shalt  }
0x48: {  	_ =	shalt  }
0x49: {  	_ =	shalt  }
0x4a: {  	_ =	shalt  }
0x4b: {  	_ =	shalt  }
0x4c: {  	_ =	shalt  }
0x4d: {  	_ =	shalt  }
0x4e: {  	_ =	shalt  }
0x4f: {  	_ =	shalt  }
0x50: {  	_ =	shalt  }
0x51: {  	_ =	shalt  }
0x52: {  	_ =	shalt  }
0x53: {  	_ =	shalt  }
0x54: {  	_ =	shalt  }
0x55: {  	_ =	shalt  }
0x56: {  	_ =	shalt  }
0x57: {  	_ =	shalt  }
0x58: {  	_ =	shalt  }
0x59: {  	_ =	shalt  }
0x5a: {  	_ =	shalt  }
0x5b: {  	_ =	shalt  }
0x5c: {  	_ =	shalt  }
0x5d: {  	_ =	shalt  }
0x5e: {  	_ =	shalt  }
0x5f: {  	_ =	shalt  }
0x60: {  	_ =	shalt  }
0x61: {  	_ =	shalt  }
0x62: {  	_ =	shalt  }
0x63: {  	_ =	shalt  }
0x64: {  	_ =	shalt  }
0x65: {  	_ =	shalt  }
0x66: {  	_ =	shalt  }
0x67: {  	_ =	shalt  }
0x68: {  	_ =	shalt  }
0x69: {  	_ =	shalt  }
0x6a: {  	_ =	shalt  }
0x6b: {  	_ =	shalt  }
0x6c: {  	_ =	shalt  }
0x6d: {  	_ =	shalt  }
0x6e: {  	_ =	shalt  }
0x6f: {  	_ =	shalt  }
0x70: {  	_ =	shalt  }
0x71: {  	_ =	shalt  }
0x72: {  	_ =	shalt  }
0x73: {  	_ =	shalt  }
0x74: {  	_ =	shalt  }
0x75: {  	_ =	shalt  }
0x76: {  	_ =	shalt  }
0x77: {  	_ =	shalt  }
0x78: {  	_ =	shalt  }
0x79: {  	_ =	shalt  }
0x7a: {  	_ =	shalt  }
0x7b: {  	_ =	shalt  }
0x7c: {  	_ =	shalt  }
0x7d: {  	_ =	shalt  }
0x7e: {  	_ =	shalt  }
0x7f: {  	_ =	shalt  }
0x80: {  	_ =	shalt  }
0x81: {  	_ =	shalt  }
0x82: {  	_ =	shalt  }
0x83: {  	_ =	shalt  }
0x84: {  	_ =	shalt  }
0x85: {  	_ =	shalt  }
0x86: {  	_ =	shalt  }
0x87: {  	_ =	shalt  }
.Lfunc_end0:
.L_simem_size_0:
called_computation_lowered:
.L_overlay_start_0:
0x88: {  	s2 =	sld [smem:$0x3FD9]  }
0x89: {  	s3 =	sld [smem:$0x3FFE];
	_ =	sdelay $0x1  }
0x8a: {  	s1 =	srdreg.scid  }
0x8b: {  	s0 =	sand.u32 $0x1, s1  }
0x8c: {  	s14 =	sshll.u32 s0, $0xA;
	s2 =	sadd.s32 s3, s2  }
0x8d: {  	s2 =	sadd.s32 s2, s14  }
0x8e: {  	[smem:$0x3FC6] =	sst s2  }
0x8f: {  	_ = 	snop  }
0x90: {  	s2 =	sld [smem:$0x3FD0];
	_ =	sdelay $0x2  }
0x91: {  	s15 =	simm.s32 $0xA;
	s4 =	simm.s32 $0x10  }
0x92: {  	[smem:s4], [sflag:s15] =	dma.local [hbm:s2], $0x1  }
0x93: {  	_ =	swait.eq [sflag:s15], $0x1  }
0x94: {  	[sflag:s15] =	ssyncset.done $0x0  }
0x95: {  	s16 =	sld [smem:$0x10];
	[sflag:s15] =	ssyncadd.s32 $0xFFFFFFFF  }
0x96: {  	s17 =	sld [smem:$0x11];
	(tm) =	ssettm $0x1  }
0x97: {  	s18 =	sld [smem:$0x3FFB];
	_ =	sdelay $0x3  }
0x98: {  	_ =	strace s18  }
0x99: {  	s4 =	sld [smem:$0x3FFC];
	_ =	sdelay $0x3  }
0x9a: {  	_ =	strace s4  }
0x9b: {  	s4 =	sld [smem:$0x3FFD];
	_ =	sdelay $0x3  }
0x9c: {  	_ =	strace s4  }
0x9d: {  	_ =	strace $0x8FFFFFFF  }
0x9e: {  	s19 =	sld [smem:$0x3FDB];
	_ =	sdelay $0x1  }
0x9f: {  	s5 =	simm.s32 $_scs_section_size  }
0xa0: {  	s6 =	simm.s32 $_size__tile_overlayer_lowered;
	s7 =	simm.s32 $_tile_overlayer_lowered  }
0xa1: {  	s22 =	simm.s32 $0x1BFF;
	s21 =	sshll.u32 s7, $0x1;
	s4 =	sadd.s32 s5, s19  }
0xa2: {  	s8 =	simm.s32 $0x0;
	s20 =	sshll.u32 s6, $0x1;
	s6 =	sadd.s32 s21, s4  }
0xa3: {  	[timem:s8], [sflag:s22] =	dma.local [hbm:s6], s20  }
0xa4: {  	_ =	swait.ge [sflag:s22], s20  }
0xa5: {  	s5 =	ssub.s32 $0x0, s20;
	[sflag:s22] =	ssyncset.done $0x0  }
0xa6: {  	[sflag:s22] =	ssyncadd.s32 s5;
	_ =	sdelay $0x1  }
0xa7: {  	s23 =	simm.s32 $0x1B8B  }
0xa8: {  	_ =	swait.ge [sflag:s23], $0x1  }
0xa9: {  	[sflag:s23] =	ssyncset.done $0x0  }
0xaa: {  	s25 =	simm.s32 $0x1B8E;
	s24 =	sld [smem:$0x3FFE];
	[sflag:s23] =	ssyncadd.s32 $0xFFFFFFFF  }
0xab: {  	s26 =	simm.s32 $execute0_lowered;
	[smem:$0x3FD2] =	sst s25  }
0xac: {  	s6 =	sshll.u32 s26, $0x1;
	_ =	strace $0x80000046;
	[dreg:$0x1] =	wrdreg $0xFFFFFFFF  }
0xad: {  	s28 =	simm.s32 $_size_execute0_lowered;
	s4 =	sadd.s32 s4, s6;
	[dreg:$0x0] =	wrdreg $0x0  }
0xae: {  	s6 =	sshll.u32 s28, $0x1;
	[dreg:$0x2] =	wrdreg s4  }
0xaf: {  	[dreg:$0x3] =	wrdreg s6  }
0xb0: {  	[dreg:$0x4] =	wrdreg $0xC0  }
0xb1: {  	_ =	task [dreg:s8], $0x5FFFF  }
0xb2: {  	[dreg:$0x1] =	wrdreg $0xFFFFFFFF  }
0xb3: {  	[dreg:$0x0] =	wrdreg $0x60  }
0xb4: {  	[dreg:$0x2] =	wrdreg s16  }
0xb5: {  	[dreg:$0x3] =	wrdreg s17  }
0xb6: {  	[dreg:$0x4] =	wrdreg s24  }
0xb7: {  	[dreg:$0x5] =	wrdreg $0x9  }
0xb8: {  	_ =	task.clear_ibuf [dreg:s8], $0x6FFFF;
	_ =	strace $0x90000046  }
0xb9: {  	s29 =	simm.s32 $0x9;
	_ =	strace $0x80000048  }
0xba: {  	_ =	swait.ge [sflag:s29], $0x1  }
0xbb: {  	[sflag:s29] =	ssyncadd.s32 $0xFFFFFFFF  }
0xbc: {  	_ =	strace $0x90000048  }
0xbd: {  	_ =	sfence  }
0xbe: {  	s30 =	sld [smem:$0x0];
	_ =	sdelay $0x2  }
0xbf: {  	s31 =	sshll.u32 s1, $0xD;
	s1 =	sshrl.u32 s1, $0x2  }
0xc0: {  	s3 =	sand.u32 $0x4000, s31;
	s1 =	sadd.s32 s1, s30  }
0xc1: {  	s0 =	sor.u32 s3, s0;
	s1 =	sshll.u32 s1, $0x11  }
0xc2: {  	s0 =	sor.u32 s1, s0  }
0xc3: {  	s0 =	sadd.s32 $0x8F2B, s0  }
0xc4: {  	[sflag:s0] =	ssyncadd.remote.s32 $0x1  }
0xc5: {  	_ =	sfence.sel $0xFFFF  }
0xc6: {  	[dreg:$0x0] =	wrdreg $0xFFFFFFFF;
	(pc) =	sbr.abs _section_cstart, $3  }
0xc7: {  	[dreg:$0x1] =	wrdreg $0xFFFFFFFF  }
0xc8: {  	_ =	task.clear_ibuf [dreg:s8], $0x2FFFF;
	_ =	strace $0x9FFFFFFF  }
0xc9: {  	(tm) =	ssettm $0x7FFFFFFF  }
tec
execute0_lowered:
.L_overlay_start_1:
0x0: {  	(tag) =	ssettag $0x1  }
0x1: {  	s1 =	rddreg [dreg:$0x0]  }
0x2: {  	s2 =	rddreg [dreg:$0x1]  }
0x3: {  	s6 =	rddreg [dreg:$0x2]  }
0x4: {  	s0 =	rddreg [dreg:$0x3];
	s4 =	simm.s32 $0x0;
	s5 =	srdreg.scid  }
0x5: {  	s3 =	stileid.u32;
	s11 =	simm.s32 $0x4000;
	s12 =	simm.s32 $0x6000  }
0x6: {  	s13 =	simm.s32 $0xE000;
	s14 =	simm.s32 $0x10000;
	s15 =	simm.s32 $0x8000  }
0x7: {  	s16 =	simm.s32 $0x0;
	[smem:$0x7FF] =	sst s4;
	s7 =	sand.u32 $0x1, s5  }
0x8: {  	v0 =	vlaneseq.u32;
	s9 =	sshll.u32 s3, $0x1;
	s5 =	sadd.s32 $0xA00, s6;
	s8 =	ssub.s32 $0x2, s7  }
0x9: {  	s6 =	sadd.s32 $0x90A00, s6;
	v1 =	vmul.u32 $0x200, v0;
	_ =	strace $0x80000047;
	s10 =	sshrl.u32 s8, $0x1  }
0xa: {  	v2 =	vimm.f32 $0.0e+00;
	v3 =	vimm.f32 $1.000000000e+00;
	v5 =	vor.u32 $0x2000, v0;
	s7 =	sor.u32 s7, s9;
	s9 =	simm.s32 $0x1;
	s8 =	ssub.s32 s8, s10  }
0xb: {  	v7 =	vor.u32 $0x4000, v0;
	s7 =	smul.u32 $0x6, s7;
	v4 =	vor.u32 $0x2000, v1;
	v6 =	vor.u32 $0x4000, v1;
	s10 =	simm.s32 $0x2000;
	s8 =	smax.u32 s8, $0x1  }
.LBB2_1:
0xc: {  	s18 =	simm.s32 $0x0  }
0xd: {  	[tilespmem:s18+$0x10000] =	vst v2  }
0xe: {  	[tilespmem:s18+$0xE000] =	vst v2  }
0xf: {  	s20 =	sand.u32 $0x1FC0, s4;
	s17 =	simm.s32 $0x100;
	s19 =	simm.s32 $0x0;
	[tilespmem:s18+$0x8000] =	vst v2  }
.LBB2_2:
0x10: {  	p0 =	sne.s32 s17, $0x7F00;
	[tilespmem:s20+$0xC000] =	vst v2  }
0x11: {  	s21 =	sshra.s32 s17, $0x2;
	[tilespmem:s20+$0xA000] =	vst v2  }
0x12: {  	[tilespmem:s21+$0x10000] =	vst v2  }
0x13: {  	[tilespmem:s18+$0xE010] =	vst v2  }
0x14: {  	[tilespmem:s18+$0x10010] =	vst v2  }
0x15: {  	[tilespmem:s18+$0x8010] =	vst v2  }
0x16: {  	[tilespmem:s18+$0xA010] =	vst v2  }
0x17: {  	[tilespmem:s18+$0xC010] =	vst v2  }
0x18: {  	[tilespmem:s18+$0xE020] =	vst v2  }
0x19: {  	[tilespmem:s18+$0x10020] =	vst v2  }
0x1a: {  	[tilespmem:s18+$0x8020] =	vst v2  }
0x1b: {  	[tilespmem:s18+$0xA020] =	vst v2  }
0x1c: {  	[tilespmem:s18+$0xC020] =	vst v2  }
0x1d: {  	[tilespmem:s18+$0xE030] =	vst v2  }
0x1e: {  	[tilespmem:s18+$0x10030] =	vst v2  }
.Ltmp0:
0x1f: {  	[tilespmem:s18+$0x8030] =	vst v2;
	(pc) =	sbr.rel @p0 .LBB2_2-.Ltmp0, $4  }
0x20: {  	[tilespmem:s18+$0xA030] =	vst v2  }
0x21: {  	[tilespmem:s18+$0xC030] =	vst v2;
	s18 =	smov.u32 s21  }
0x22: {  	s19 =	sadd.s32 $0x40, s19;
	[tilespmem:s18+$0xE000] =	vst v2  }
0x23: {  	s17 =	sadd.s32 $0x100, s17;
	s20 =	sand.u32 $0x1FC0, s19;
	[tilespmem:s18+$0x8000] =	vst v2  }
0x24: {  	[tilespmem:s20+$0xC000] =	vst v2  }
0x25: {  	[tilespmem:s20+$0xA000] =	vst v2  }
0x26: {  	[tilespmem:s18+$0xE010] =	vst v2  }
0x27: {  	[tilespmem:s18+$0x10010] =	vst v2  }
0x28: {  	[tilespmem:s18+$0x8010] =	vst v2  }
0x29: {  	[tilespmem:s18+$0xA010] =	vst v2  }
0x2a: {  	[tilespmem:s18+$0xC010] =	vst v2  }
0x2b: {  	[tilespmem:s18+$0xE020] =	vst v2  }
0x2c: {  	[tilespmem:s18+$0x10020] =	vst v2  }
0x2d: {  	[tilespmem:s18+$0x8020] =	vst v2  }
0x2e: {  	[tilespmem:s18+$0xA020] =	vst v2  }
0x2f: {  	[tilespmem:s18+$0xC020] =	vst v2  }
0x30: {  	[tilespmem:s18+$0xE030] =	vst v2  }
0x31: {  	[tilespmem:s18+$0x10030] =	vst v2  }
0x32: {  	[tilespmem:s18+$0x8030] =	vst v2  }
0x33: {  	[tilespmem:s18+$0xA030] =	vst v2  }
0x34: {  	s17 =	simm.s32 $0x0;
	[tilespmem:s18+$0xC030] =	vst v2;
	s18 =	simm.s32 $0x0  }
.LBB2_4:
0x35: {  	s19 =	sadd.s32 s7, s18  }
0x36: {  	s20 =	smulhi.u32 $0xAAAAAAAB, s19;
	_ =	sdelay $0x1  }
0x37: {  	s20 =	sshrl.u32 s20, $0x4  }
0x38: {  	s21 =	smul.u32 $0x18, s20;
	_ =	sdelay $0x1  }
0x39: {  	s21 =	ssub.s32 s19, s21;
	s19 =	sshll.u32 s19, $0xA  }
0x3a: {  	s20 =	smul.u32 $0x90000, s20;
	s21 =	sshll.u32 s21, $0xD;
	s22 =	sadd.s32 s2, s19  }
0x3b: {  	[tilespmem:s17], [sflag:$0x1] =	stream.linear.gather [hbm4b:s22+s17], $0x2000, $0x38;
	[tilespmem:$0x12000] =	vst v63  }
0x3c: {  	s20 =	sadd.s32 s21, s20;
	_ =	swait.ge [sflag:s9], $0x2000  }
0x3d: {  	s20 =	sshrl.u32 s20, $0x3;
	[sflag:s9] =	ssyncset.done $0x0  }
0x3e: {  	s30 =	sadd.s32 s1, s20;
	[sflag:s9] =	ssyncadd.s32 $0xFFFFE000  }
0x3f: {  	[tilespmem:s10], [sflag:$0x1] =	stream.linear.gather [hbm4b:s30+s17], $0x2000, $0x38;
	[tilespmem:$0x12000] =	vst v63  }
0x40: {  	_ =	swait.ge [sflag:s9], $0x2000  }
0x41: {  	s21 =	sadd.s32 $0x6000, s20;
	[sflag:s9] =	ssyncset.done $0x0  }
0x42: {  	s31 =	sadd.s32 s1, s21;
	[sflag:s9] =	ssyncadd.s32 $0xFFFFE000  }
0x43: {  	[tilespmem:s11], [sflag:$0x1] =	stream.linear.gather [hbm4b:s31+s17], $0x2000, $0x38;
	[tilespmem:$0x12000] =	vst v63  }
0x44: {  	_ =	swait.ge [sflag:s9], $0x2000  }
0x45: {  	s22 =	sadd.s32 $0xC000, s20;
	[sflag:s9] =	ssyncset.done $0x0  }
0x46: {  	s23 =	sadd.s32 s1, s22;
	[sflag:s9] =	ssyncadd.s32 $0xFFFFE000  }
0x47: {  	[tilespmem:s12], [sflag:$0x1] =	stream.linear.gather [hbm4b:s23+s17], $0x2000, $0x38;
	[tilespmem:$0x12000] =	vst v63  }
0x48: {  	_ =	swait.ge [sflag:s9], $0x2000  }
0x49: {  	[sflag:s9] =	ssyncset.done $0x0  }
0x4a: {  	s23 =	simm.s32 $0x0;
	[sflag:s9] =	ssyncadd.s32 $0xFFFFE000  }
.LBB2_5:
0x4b: {  	v8 =	vadd.s32 s23, v0  }
0x4c: {  	v9 =	vand.u32 $0x1FF, v8  }
0x4d: {  	v10 =	vor.u32 v1, v9  }
0x4e: {  	v8 =	vand.u32 $0x7F, v8;
	v10 =	vand.u32 $0x1F80, v10  }
0x4f: {  	v10 =	vor.u32 v8, v10;
	_ =	sdelay $0x3  }
0x50: {  	s24 =	simm.s32 $0x0  }
0x51: {  	v11 =	vld.idx.msk [tilespmem:v10+s24+$0x0], $0xffff;
	_ =	sdelay $0x2  }
0x52: {  	v12 =	vcvt.s32.f32 v9;
	_ =	sdelay $0x1  }
0x53: {  	v12 =	vsub.f32 v12, v11;
	_ =	sdelay $0x1  }
0x54: {  	v12 =	vadd.f32 $1.258291200e+07, v12  }
0x55: {  	v11 =	vmul.f32 $3.464225530e-01, v11  }
0x56: {  	v12 =	vadd.f32 $-1.258291200e+07, v12  }
0x57: {  	v11 =	vmul.f32 $1.442695020e+00, v11  }
0x58: {  	v13 =	vtrunc.f32 v12  }
0x59: {  	(erf) = vpow2.f32 v11;
	v13 =	vcvt.f32.s32 v13;
	_ =	sdelay $0x1  }
0x5a: {  	vm0 =	vgt.s32 v13, $0x0  }
0x5b: {  	v31 =	vnsel vm0, $0x0, v13  }
0x5c: {  	vm9 =	vge.f32 v12, $0.0e+00;
	v11 =	vshll.u32 v31, $0x4  }
0x5d: {  	v32 =	vor.u32 v0, v11;
	_ =	sdelay $0x3  }
0x5e: {  	v33 =	vpop (erf)  }
0x5f: {  	[tilespmem:v32+s13+$0x0] =	vst.idx.add.f32.msk vm9, v33  }
0x60: {  	[tilespmem:v32+s14+$0x0] =	vst.idx.add.f32.msk vm9, v3  }
0x61: {  	v10 =	vld.idx.msk [tilespmem:v10+s10+$0x0], $0xffff  }
0x62: {  	v14 =	vor.u32 v4, v9  }
0x63: {  	v14 =	vand.u32 $0x3F80, v14  }
0x64: {  	v14 =	vor.u32 v8, v14;
	_ =	sdelay $0x1  }
0x65: {  	v10 =	vmul.f32 v33, v10;
	_ =	sdelay $0x1  }
0x66: {  	[tilespmem:v32+s15+$0x0] =	vst.idx.add.f32.msk vm9, v10  }
0x67: {  	v10 =	vld.idx.msk [tilespmem:v14+s10+$0x0], $0xffff  }
0x68: {  	v9 =	vor.u32 v6, v9  }
0x69: {  	v9 =	vand.u32 $0x5F80, v9;
	v34 =	vadd.s32 v5, v11  }
0x6a: {  	v8 =	vor.u32 v8, v9;
	_ =	sdelay $0x1  }
0x6b: {  	v35 =	vmul.f32 v10, v33  }
0x6c: {  	s25 =	sadd.s32 $0x1, s23  }
0x6d: {  	v36 =	vadd.s32 s25, v0;
	[tilespmem:v34+s15+$0x0] =	vst.idx.add.f32.msk vm9, v35  }
0x6e: {  	v37 =	vand.u32 $0x1FF, v36;
	v8 =	vld.idx.msk [tilespmem:v8+s10+$0x0], $0xffff  }
0x6f: {  	v38 =	vor.u32 v1, v37  }
0x70: {  	v9 =	vand.u32 $0x7F, v36;
	v12 =	vand.u32 $0x1F80, v38;
	v11 =	vadd.s32 v7, v11  }
0x71: {  	v12 =	vor.u32 v9, v12;
	_ =	sdelay $0x1  }
0x72: {  	v8 =	vmul.f32 v8, v33;
	_ =	sdelay $0x1  }
0x73: {  	[tilespmem:v11+s15+$0x0] =	vst.idx.add.f32.msk vm9, v8  }
0x74: {  	v8 =	vld.idx.msk [tilespmem:v12+s24+$0x0], $0xffff;
	_ =	sdelay $0x2  }
0x75: {  	v39 =	vcvt.s32.f32 v37;
	_ =	sdelay $0x1  }
0x76: {  	v11 =	vsub.f32 v39, v8;
	_ =	sdelay $0x1  }
0x77: {  	v11 =	vadd.f32 $1.258291200e+07, v11  }
0x78: {  	v8 =	vmul.f32 $3.464225530e-01, v8  }
0x79: {  	v11 =	vadd.f32 $-1.258291200e+07, v11  }
0x7a: {  	v8 =	vmul.f32 $1.442695020e+00, v8  }
0x7b: {  	v40 =	vtrunc.f32 v11  }
0x7c: {  	(erf) = vpow2.f32 v8;
	v13 =	vcvt.f32.s32 v40;
	_ =	sdelay $0x1  }
0x7d: {  	vm10 =	vgt.s32 v13, $0x0  }
0x7e: {  	v8 =	vnsel vm10, $0x0, v13  }
0x7f: {  	vm11 =	vge.f32 v11, $0.0e+00;
	v8 =	vshll.u32 v8, $0x4  }
0x80: {  	v41 =	vor.u32 v0, v8;
	_ =	sdelay $0x3  }
0x81: {  	v42 =	vpop (erf)  }
0x82: {  	[tilespmem:v41+s13+$0x0] =	vst.idx.add.f32.msk vm11, v42  }
0x83: {  	[tilespmem:v41+s14+$0x0] =	vst.idx.add.f32.msk vm11, v3  }
0x84: {  	v12 =	vld.idx.msk [tilespmem:v12+s10+$0x0], $0xffff  }
0x85: {  	v43 =	vor.u32 v4, v37  }
0x86: {  	v14 =	vand.u32 $0x3F80, v43  }
0x87: {  	v14 =	vor.u32 v9, v14;
	_ =	sdelay $0x1  }
0x88: {  	v12 =	vmul.f32 v42, v12;
	_ =	sdelay $0x1  }
0x89: {  	[tilespmem:v41+s15+$0x0] =	vst.idx.add.f32.msk vm11, v12  }
0x8a: {  	v11 =	vld.idx.msk [tilespmem:v14+s10+$0x0], $0xffff  }
0x8b: {  	v10 =	vor.u32 v6, v37  }
0x8c: {  	v10 =	vand.u32 $0x5F80, v10;
	v44 =	vadd.s32 v5, v8  }
0x8d: {  	v9 =	vor.u32 v9, v10;
	_ =	sdelay $0x1  }
0x8e: {  	v45 =	vmul.f32 v11, v42  }
0x8f: {  	s30 =	sadd.s32 $0x2, s23  }
0x90: {  	v46 =	vadd.s32 s30, v0;
	[tilespmem:v44+s15+$0x0] =	vst.idx.add.f32.msk vm11, v45  }
0x91: {  	v47 =	vand.u32 $0x1FF, v46;
	v9 =	vld.idx.msk [tilespmem:v9+s10+$0x0], $0xffff  }
0x92: {  	v48 =	vor.u32 v1, v47  }
0x93: {  	v10 =	vand.u32 $0x7F, v46;
	v8 =	vadd.s32 v7, v8;
	v12 =	vand.u32 $0x1F80, v48  }
0x94: {  	v12 =	vor.u32 v10, v12;
	_ =	sdelay $0x1  }
0x95: {  	v9 =	vmul.f32 v9, v42;
	_ =	sdelay $0x1  }
0x96: {  	[tilespmem:v8+s15+$0x0] =	vst.idx.add.f32.msk vm11, v9  }
0x97: {  	v8 =	vld.idx.msk [tilespmem:v12+s24+$0x0], $0xffff;
	_ =	sdelay $0x2  }
0x98: {  	v49 =	vcvt.s32.f32 v47;
	_ =	sdelay $0x1  }
0x99: {  	v9 =	vsub.f32 v49, v8;
	_ =	sdelay $0x1  }
0x9a: {  	v9 =	vadd.f32 $1.258291200e+07, v9  }
0x9b: {  	v8 =	vmul.f32 $3.464225530e-01, v8  }
0x9c: {  	v9 =	vadd.f32 $-1.258291200e+07, v9  }
0x9d: {  	v8 =	vmul.f32 $1.442695020e+00, v8  }
0x9e: {  	v50 =	vtrunc.f32 v9  }
0x9f: {  	(erf) = vpow2.f32 v8;
	v13 =	vcvt.f32.s32 v50;
	_ =	sdelay $0x1  }
0xa0: {  	vm12 =	vgt.s32 v13, $0x0  }
0xa1: {  	v8 =	vnsel vm12, $0x0, v13  }
0xa2: {  	vm13 =	vge.f32 v9, $0.0e+00;
	v8 =	vshll.u32 v8, $0x4  }
0xa3: {  	v51 =	vor.u32 v0, v8;
	_ =	sdelay $0x3  }
0xa4: {  	v52 =	vpop (erf)  }
0xa5: {  	[tilespmem:v51+s13+$0x0] =	vst.idx.add.f32.msk vm13, v52  }
0xa6: {  	[tilespmem:v51+s14+$0x0] =	vst.idx.add.f32.msk vm13, v3  }
0xa7: {  	v12 =	vld.idx.msk [tilespmem:v12+s10+$0x0], $0xffff  }
0xa8: {  	v53 =	vor.u32 v4, v47  }
0xa9: {  	v14 =	vand.u32 $0x3F80, v53  }
0xaa: {  	v14 =	vor.u32 v10, v14;
	_ =	sdelay $0x1  }
0xab: {  	v12 =	vmul.f32 v52, v12;
	_ =	sdelay $0x1  }
0xac: {  	[tilespmem:v51+s15+$0x0] =	vst.idx.add.f32.msk vm13, v12  }
0xad: {  	v9 =	vld.idx.msk [tilespmem:v14+s10+$0x0], $0xffff  }
0xae: {  	v11 =	vor.u32 v6, v47  }
0xaf: {  	v11 =	vand.u32 $0x5F80, v11;
	v54 =	vadd.s32 v5, v8  }
0xb0: {  	v10 =	vor.u32 v10, v11;
	_ =	sdelay $0x1  }
0xb1: {  	v9 =	vmul.f32 v9, v52  }
0xb2: {  	s31 =	sadd.s32 $0x3, s23  }
0xb3: {  	v55 =	vadd.s32 s31, v0;
	[tilespmem:v54+s15+$0x0] =	vst.idx.add.f32.msk vm13, v9  }
0xb4: {  	v56 =	vand.u32 $0x1FF, v55;
	v10 =	vld.idx.msk [tilespmem:v10+s10+$0x0], $0xffff  }
0xb5: {  	v57 =	vor.u32 v1, v56  }
0xb6: {  	v8 =	vadd.s32 v7, v8;
	v12 =	vand.u32 $0x1F80, v57;
	v9 =	vand.u32 $0x7F, v55  }
0xb7: {  	v12 =	vor.u32 v9, v12;
	_ =	sdelay $0x1  }
0xb8: {  	v10 =	vmul.f32 v10, v52;
	_ =	sdelay $0x1  }
0xb9: {  	[tilespmem:v8+s15+$0x0] =	vst.idx.add.f32.msk vm13, v10  }
0xba: {  	v8 =	vld.idx.msk [tilespmem:v12+s24+$0x0], $0xffff;
	_ =	sdelay $0x2  }
0xbb: {  	v58 =	vcvt.s32.f32 v56;
	_ =	sdelay $0x1  }
0xbc: {  	v10 =	vsub.f32 v58, v8;
	_ =	sdelay $0x1  }
0xbd: {  	v10 =	vadd.f32 $1.258291200e+07, v10  }
0xbe: {  	v8 =	vmul.f32 $3.464225530e-01, v8  }
0xbf: {  	v10 =	vadd.f32 $-1.258291200e+07, v10  }
0xc0: {  	v8 =	vmul.f32 $1.442695020e+00, v8  }
0xc1: {  	v59 =	vtrunc.f32 v10  }
0xc2: {  	(erf) = vpow2.f32 v8;
	v13 =	vcvt.f32.s32 v59;
	_ =	sdelay $0x1  }
0xc3: {  	vm14 =	vgt.s32 v13, $0x0  }
0xc4: {  	v8 =	vnsel vm14, $0x0, v13  }
0xc5: {  	vm15 =	vge.f32 v10, $0.0e+00;
	v8 =	vshll.u32 v8, $0x4  }
0xc6: {  	v60 =	vor.u32 v0, v8;
	_ =	sdelay $0x3  }
0xc7: {  	v61 =	vpop (erf)  }
0xc8: {  	[tilespmem:v60+s13+$0x0] =	vst.idx.add.f32.msk vm15, v61  }
0xc9: {  	[tilespmem:v60+s14+$0x0] =	vst.idx.add.f32.msk vm15, v3  }
0xca: {  	v12 =	vld.idx.msk [tilespmem:v12+s10+$0x0], $0xffff  }
0xcb: {  	v62 =	vor.u32 v4, v56  }
0xcc: {  	v14 =	vand.u32 $0x3F80, v62  }
0xcd: {  	v14 =	vor.u32 v9, v14;
	_ =	sdelay $0x1  }
0xce: {  	v12 =	vmul.f32 v61, v12;
	_ =	sdelay $0x1  }
0xcf: {  	[tilespmem:v60+s15+$0x0] =	vst.idx.add.f32.msk vm15, v12  }
0xd0: {  	v10 =	vld.idx.msk [tilespmem:v14+s10+$0x0], $0xffff  }
0xd1: {  	v11 =	vor.u32 v6, v56  }
0xd2: {  	v11 =	vand.u32 $0x5F80, v11;
	v63 =	vadd.s32 v5, v8  }
0xd3: {  	v9 =	vor.u32 v9, v11;
	_ =	sdelay $0x1  }
0xd4: {  	v10 =	vmul.f32 v10, v61;
	_ =	sdelay $0x1  }
0xd5: {  	[tilespmem:v63+s15+$0x0] =	vst.idx.add.f32.msk vm15, v10  }
0xd6: {  	v9 =	vld.idx.msk [tilespmem:v9+s10+$0x0], $0xffff;
	_ =	sdelay $0x1  }
0xd7: {  	p0 =	sne.s32 s23, $0x1FC;
	v8 =	vadd.s32 v7, v8  }
.Ltmp1:
0xd8: {  	_ = 	snop;
	(pc) =	sbr.rel @p0 .LBB2_5-.Ltmp1, $3  }
0xd9: {  	_ = 	snop  }
0xda: {  	v9 =	vmul.f32 v9, v61;
	_ =	sdelay $0x1  }
0xdb: {  	s23 =	sadd.s32 $0x4, s23;
	[tilespmem:v8+s15+$0x0] =	vst.idx.add.f32.msk vm15, v9  }
0xdc: {  	v8 =	vadd.s32 s24, v0  }
0xdd: {  	v9 =	vand.u32 $0x1FF, v8  }
0xde: {  	v10 =	vshll.u32 v9, $0x4  }
0xdf: {  	v11 =	vor.u32 v0, v10;
	_ =	sdelay $0x4  }
0xe0: {  	v12 =	vld.idx.msk [tilespmem:v11+s13+$0x0], $0xffff;
	_ =	sdelay $0x1  }
0xe1: {  	v13 =	vld.idx.msk [tilespmem:v11+s14+$0x0], $0xffff  }
0xe2: {  	v14 =	vor.u32 v1, v9  }
0xe3: {  	v8 =	vand.u32 $0x7F, v8;
	v14 =	vand.u32 $0x1F80, v14  }
0xe4: {  	v14 =	vor.u32 v8, v14;
	v12 =	vmax.f32 v12, $9.999999970e-07  }
0xe5: {  	(erf) = vrcp.f32 v12  }
0xe6: {  	v12 =	vmin.f32 v13, $1.000000000e+00  }
0xe7: {  	[tilespmem:v11+s13+$0x0] =	vst.idx.msk $0xffff, v2;
	v12 =	vsub.f32 $1.000000000e+00, v12  }
0xe8: {  	[tilespmem:v11+s14+$0x0] =	vst.idx.msk $0xffff, v2  }
0xe9: {  	[tilespmem:v14+s4+$0x0] =	vst.idx.msk $0xffff, v12  }
0xea: {  	v12 =	vld.idx.msk [tilespmem:v11+s15+$0x0], $0xffff;
	_ =	sdelay $0x2  }
0xeb: {  	v13 =	vor.u32 v5, v10  }
0xec: {  	v15 =	vpop (erf)  }
0xed: {  	v12 =	vmul.f32 v12, v15  }
0xee: {  	[tilespmem:v11+s15+$0x0] =	vst.idx.msk $0xffff, v2  }
0xef: {  	[tilespmem:v14+s10+$0x0] =	vst.idx.msk $0xffff, v12  }
0xf0: {  	v11 =	vor.u32 v4, v9;
	v12 =	vld.idx.msk [tilespmem:v13+s15+$0x0], $0xffff  }
0xf1: {  	v11 =	vand.u32 $0x3F80, v11  }
0xf2: {  	v11 =	vor.u32 v8, v11  }
0xf3: {  	v10 =	vor.u32 v7, v10;
	_ =	sdelay $0x1  }
0xf4: {  	v12 =	vmul.f32 v12, v15  }
0xf5: {  	[tilespmem:v13+s15+$0x0] =	vst.idx.msk $0xffff, v2  }
0xf6: {  	s23 =	simm.s32 $0x1;
	[tilespmem:v11+s10+$0x0] =	vst.idx.msk $0xffff, v12  }
0xf7: {  	v9 =	vor.u32 v6, v9;
	v12 =	vadd.s32 s23, v0;
	v11 =	vld.idx.msk [tilespmem:v10+s15+$0x0], $0xffff  }
0xf8: {  	v9 =	vand.u32 $0x5F80, v9;
	v13 =	vand.u32 $0x1FF, v12  }
0xf9: {  	v8 =	vor.u32 v8, v9;
	v9 =	vshll.u32 v13, $0x4  }
0xfa: {  	v14 =	vor.u32 v0, v9;
	_ =	sdelay $0x1  }
0xfb: {  	v11 =	vmul.f32 v11, v15  }
0xfc: {  	[tilespmem:v10+s15+$0x0] =	vst.idx.msk $0xffff, v2  }
0xfd: {  	[tilespmem:v8+s10+$0x0] =	vst.idx.msk $0xffff, v11  }
0xfe: {  	v8 =	vld.idx.msk [tilespmem:v14+s13+$0x0], $0xffff;
	_ =	sdelay $0x1  }
0xff: {  	v10 =	vld.idx.msk [tilespmem:v14+s14+$0x0], $0xffff  }
0x100: {  	v11 =	vor.u32 v1, v13  }
0x101: {  	v12 =	vand.u32 $0x7F, v12;
	v11 =	vand.u32 $0x1F80, v11  }
0x102: {  	v11 =	vor.u32 v12, v11;
	v8 =	vmax.f32 v8, $9.999999970e-07  }
0x103: {  	(erf) = vrcp.f32 v8  }
0x104: {  	v8 =	vmin.f32 v10, $1.000000000e+00  }
0x105: {  	[tilespmem:v14+s13+$0x0] =	vst.idx.msk $0xffff, v2;
	v8 =	vsub.f32 $1.000000000e+00, v8  }
0x106: {  	[tilespmem:v14+s14+$0x0] =	vst.idx.msk $0xffff, v2  }
0x107: {  	[tilespmem:v11+s4+$0x0] =	vst.idx.msk $0xffff, v8  }
0x108: {  	v8 =	vld.idx.msk [tilespmem:v14+s15+$0x0], $0xffff;
	_ =	sdelay $0x2  }
0x109: {  	v10 =	vor.u32 v5, v9  }
0x10a: {  	v15 =	vpop (erf)  }
0x10b: {  	v8 =	vmul.f32 v8, v15  }
0x10c: {  	[tilespmem:v14+s15+$0x0] =	vst.idx.msk $0xffff, v2  }
0x10d: {  	[tilespmem:v11+s10+$0x0] =	vst.idx.msk $0xffff, v8  }
0x10e: {  	v8 =	vor.u32 v4, v13;
	v11 =	vld.idx.msk [tilespmem:v10+s15+$0x0], $0xffff  }
0x10f: {  	v8 =	vand.u32 $0x3F80, v8  }
0x110: {  	v8 =	vor.u32 v12, v8  }
0x111: {  	v9 =	vor.u32 v7, v9;
	_ =	sdelay $0x1  }
0x112: {  	v11 =	vmul.f32 v11, v15  }
0x113: {  	[tilespmem:v10+s15+$0x0] =	vst.idx.msk $0xffff, v2  }
0x114: {  	s30 =	simm.s32 $0x2;
	[tilespmem:v8+s10+$0x0] =	vst.idx.msk $0xffff, v11  }
0x115: {  	v8 =	vor.u32 v6, v13;
	v11 =	vadd.s32 s30, v0;
	v10 =	vld.idx.msk [tilespmem:v9+s15+$0x0], $0xffff  }
0x116: {  	v8 =	vand.u32 $0x5F80, v8;
	v13 =	vand.u32 $0x1FF, v11  }
0x117: {  	v8 =	vor.u32 v12, v8;
	v12 =	vshll.u32 v13, $0x4  }
0x118: {  	v14 =	vor.u32 v0, v12;
	_ =	sdelay $0x1  }
0x119: {  	v10 =	vmul.f32 v10, v15  }
0x11a: {  	[tilespmem:v9+s15+$0x0] =	vst.idx.msk $0xffff, v2  }
0x11b: {  	[tilespmem:v8+s10+$0x0] =	vst.idx.msk $0xffff, v10  }
0x11c: {  	v8 =	vld.idx.msk [tilespmem:v14+s13+$0x0], $0xffff;
	_ =	sdelay $0x1  }
0x11d: {  	v9 =	vld.idx.msk [tilespmem:v14+s14+$0x0], $0xffff  }
0x11e: {  	v10 =	vor.u32 v1, v13  }
0x11f: {  	v11 =	vand.u32 $0x7F, v11;
	v10 =	vand.u32 $0x1F80, v10  }
0x120: {  	v10 =	vor.u32 v11, v10;
	v8 =	vmax.f32 v8, $9.999999970e-07  }
0x121: {  	(erf) = vrcp.f32 v8  }
0x122: {  	v8 =	vmin.f32 v9, $1.000000000e+00  }
0x123: {  	[tilespmem:v14+s13+$0x0] =	vst.idx.msk $0xffff, v2;
	v8 =	vsub.f32 $1.000000000e+00, v8  }
0x124: {  	[tilespmem:v14+s14+$0x0] =	vst.idx.msk $0xffff, v2  }
0x125: {  	[tilespmem:v10+s4+$0x0] =	vst.idx.msk $0xffff, v8  }
0x126: {  	v8 =	vld.idx.msk [tilespmem:v14+s15+$0x0], $0xffff;
	_ =	sdelay $0x2  }
0x127: {  	v9 =	vor.u32 v5, v12  }
0x128: {  	v15 =	vpop (erf)  }
0x129: {  	v8 =	vmul.f32 v8, v15  }
0x12a: {  	[tilespmem:v14+s15+$0x0] =	vst.idx.msk $0xffff, v2  }
0x12b: {  	[tilespmem:v10+s10+$0x0] =	vst.idx.msk $0xffff, v8  }
0x12c: {  	v8 =	vor.u32 v4, v13;
	v10 =	vld.idx.msk [tilespmem:v9+s15+$0x0], $0xffff  }
0x12d: {  	v8 =	vand.u32 $0x3F80, v8  }
0x12e: {  	v8 =	vor.u32 v11, v8  }
0x12f: {  	v12 =	vor.u32 v7, v12;
	_ =	sdelay $0x1  }
0x130: {  	v10 =	vmul.f32 v10, v15  }
0x131: {  	[tilespmem:v9+s15+$0x0] =	vst.idx.msk $0xffff, v2  }
0x132: {  	s31 =	simm.s32 $0x3;
	[tilespmem:v8+s10+$0x0] =	vst.idx.msk $0xffff, v10  }
0x133: {  	v8 =	vor.u32 v6, v13;
	v10 =	vadd.s32 s31, v0;
	v9 =	vld.idx.msk [tilespmem:v12+s15+$0x0], $0xffff  }
0x134: {  	v8 =	vand.u32 $0x5F80, v8;
	v13 =	vand.u32 $0x1FF, v10  }
0x135: {  	v8 =	vor.u32 v11, v8;
	v11 =	vshll.u32 v13, $0x4  }
0x136: {  	v14 =	vor.u32 v0, v11;
	_ =	sdelay $0x1  }
0x137: {  	v9 =	vmul.f32 v9, v15  }
0x138: {  	[tilespmem:v12+s15+$0x0] =	vst.idx.msk $0xffff, v2  }
0x139: {  	[tilespmem:v8+s10+$0x0] =	vst.idx.msk $0xffff, v9  }
0x13a: {  	v8 =	vld.idx.msk [tilespmem:v14+s13+$0x0], $0xffff;
	_ =	sdelay $0x1  }
0x13b: {  	v9 =	vld.idx.msk [tilespmem:v14+s14+$0x0], $0xffff  }
0x13c: {  	v12 =	vor.u32 v1, v13  }
0x13d: {  	v10 =	vand.u32 $0x7F, v10;
	v12 =	vand.u32 $0x1F80, v12  }
0x13e: {  	v12 =	vor.u32 v10, v12;
	v8 =	vmax.f32 v8, $9.999999970e-07  }
0x13f: {  	(erf) = vrcp.f32 v8  }
0x140: {  	v8 =	vmin.f32 v9, $1.000000000e+00  }
0x141: {  	[tilespmem:v14+s13+$0x0] =	vst.idx.msk $0xffff, v2;
	v8 =	vsub.f32 $1.000000000e+00, v8  }
0x142: {  	[tilespmem:v14+s14+$0x0] =	vst.idx.msk $0xffff, v2  }
0x143: {  	[tilespmem:v12+s4+$0x0] =	vst.idx.msk $0xffff, v8  }
0x144: {  	v8 =	vld.idx.msk [tilespmem:v14+s15+$0x0], $0xffff;
	_ =	sdelay $0x2  }
0x145: {  	v9 =	vor.u32 v5, v11  }
0x146: {  	v15 =	vpop (erf)  }
0x147: {  	v8 =	vmul.f32 v8, v15  }
0x148: {  	[tilespmem:v14+s15+$0x0] =	vst.idx.msk $0xffff, v2  }
0x149: {  	[tilespmem:v12+s10+$0x0] =	vst.idx.msk $0xffff, v8  }
0x14a: {  	v8 =	vor.u32 v4, v13;
	v12 =	vld.idx.msk [tilespmem:v9+s15+$0x0], $0xffff  }
0x14b: {  	v8 =	vand.u32 $0x3F80, v8  }
0x14c: {  	v8 =	vor.u32 v10, v8  }
0x14d: {  	v16 =	vor.u32 v7, v11;
	_ =	sdelay $0x1  }
0x14e: {  	v11 =	vmul.f32 v12, v15  }
0x14f: {  	[tilespmem:v9+s15+$0x0] =	vst.idx.msk $0xffff, v2  }
0x150: {  	s23 =	simm.s32 $0x4;
	[tilespmem:v8+s10+$0x0] =	vst.idx.msk $0xffff, v11  }
0x151: {  	v12 =	vadd.s32 s23, v0;
	v8 =	vor.u32 v6, v13;
	v17 =	vld.idx.msk [tilespmem:v16+s15+$0x0], $0xffff  }
0x152: {  	v18 =	vand.u32 $0x1FF, v12;
	v8 =	vand.u32 $0x5F80, v8  }
0x153: {  	v9 =	vshll.u32 v18, $0x4;
	v14 =	vor.u32 v10, v8  }
0x154: {  	v11 =	vor.u32 v0, v9  }
0x155: {  	v8 =	vor.u32 v1, v18;
	v10 =	vor.u32 v4, v18  }
0x156: {  	s24 =	simm.s32 $0x8;
	[tilespmem:v16+s15+$0x0] =	vst.idx.msk $0xffff, v2;
	v13 =	vand.u32 $0x1F80, v8;
	v8 =	vor.u32 v6, v18;
	v15 =	vmul.f32 v17, v15  }
.LBB2_7:
0x157: {  	_ = 	snop  }
0x158: {  	p0 =	sne.s32 s24, $0x1FC;
	s25 =	smov.u32 s24;
	s24 =	sadd.s32 $0x4, s24;
	[tilespmem:v14+s10+$0x0] =	vst.idx.msk $0xffff, v15  }
0x159: {  	v14 =	vld.idx.msk [tilespmem:v11+s13+$0x0], $0xffff  }
0x15a: {  	v15 =	vld.idx.msk [tilespmem:v11+s14+$0x0], $0xffff;
	_ =	sdelay $0x2  }
0x15b: {  	v12 =	vand.u32 $0x7F, v12  }
0x15c: {  	v13 =	vor.u32 v12, v13  }
0x15d: {  	v14 =	vmax.f32 v14, $9.999999970e-07  }
0x15e: {  	v15 =	vmin.f32 v15, $1.000000000e+00;
	(erf) = vrcp.f32 v14  }
0x15f: {  	v14 =	vsub.f32 $1.000000000e+00, v15;
	[tilespmem:v11+s13+$0x0] =	vst.idx.msk $0xffff, v2  }
0x160: {  	[tilespmem:v11+s14+$0x0] =	vst.idx.msk $0xffff, v2  }
0x161: {  	[tilespmem:v13+s4+$0x0] =	vst.idx.msk $0xffff, v14  }
0x162: {  	v14 =	vld.idx.msk [tilespmem:v11+s15+$0x0], $0xffff;
	_ =	sdelay $0x3  }
0x163: {  	v15 =	vor.u32 v5, v9  }
0x164: {  	v16 =	vpop (erf)  }
0x165: {  	v14 =	vmul.f32 v14, v16  }
0x166: {  	[tilespmem:v11+s15+$0x0] =	vst.idx.msk $0xffff, v2  }
0x167: {  	[tilespmem:v13+s10+$0x0] =	vst.idx.msk $0xffff, v14  }
0x168: {  	v11 =	vld.idx.msk [tilespmem:v15+s15+$0x0], $0xffff;
	_ =	sdelay $0x1  }
0x169: {  	v10 =	vand.u32 $0x3F80, v10  }
0x16a: {  	v10 =	vor.u32 v12, v10  }
0x16b: {  	v9 =	vor.u32 v7, v9;
	_ =	sdelay $0x1  }
0x16c: {  	v11 =	vmul.f32 v11, v16  }
0x16d: {  	[tilespmem:v15+s15+$0x0] =	vst.idx.msk $0xffff, v2  }
0x16e: {  	[tilespmem:v10+s10+$0x0] =	vst.idx.msk $0xffff, v11  }
0x16f: {  	s26 =	sadd.s32 $0x1, s23;
	v10 =	vld.idx.msk [tilespmem:v9+s15+$0x0], $0xffff  }
0x170: {  	v11 =	vadd.s32 s26, v0  }
0x171: {  	v8 =	vand.u32 $0x5F80, v8;
	v13 =	vand.u32 $0x1FF, v11  }
0x172: {  	v8 =	vor.u32 v12, v8;
	v12 =	vshll.u32 v13, $0x4;
	v14 =	vor.u32 v1, v13  }
0x173: {  	v17 =	vor.u32 v4, v13;
	v15 =	vor.u32 v0, v12;
	v14 =	vand.u32 $0x1F80, v14  }
0x174: {  	v13 =	vor.u32 v6, v13  }
0x175: {  	v10 =	vmul.f32 v10, v16  }
0x176: {  	[tilespmem:v9+s15+$0x0] =	vst.idx.msk $0xffff, v2  }
0x177: {  	[tilespmem:v8+s10+$0x0] =	vst.idx.msk $0xffff, v10  }
0x178: {  	v8 =	vld.idx.msk [tilespmem:v15+s13+$0x0], $0xffff  }
0x179: {  	v9 =	vld.idx.msk [tilespmem:v15+s14+$0x0], $0xffff;
	_ =	sdelay $0x2  }
0x17a: {  	v10 =	vand.u32 $0x7F, v11  }
0x17b: {  	v11 =	vor.u32 v10, v14  }
0x17c: {  	v8 =	vmax.f32 v8, $9.999999970e-07  }
0x17d: {  	v9 =	vmin.f32 v9, $1.000000000e+00;
	(erf) = vrcp.f32 v8  }
0x17e: {  	v8 =	vsub.f32 $1.000000000e+00, v9;
	[tilespmem:v15+s13+$0x0] =	vst.idx.msk $0xffff, v2  }
0x17f: {  	[tilespmem:v15+s14+$0x0] =	vst.idx.msk $0xffff, v2  }
0x180: {  	[tilespmem:v11+s4+$0x0] =	vst.idx.msk $0xffff, v8  }
0x181: {  	v8 =	vld.idx.msk [tilespmem:v15+s15+$0x0], $0xffff;
	_ =	sdelay $0x3  }
0x182: {  	v9 =	vor.u32 v5, v12  }
0x183: {  	v14 =	vpop (erf)  }
0x184: {  	v8 =	vmul.f32 v8, v14  }
0x185: {  	[tilespmem:v15+s15+$0x0] =	vst.idx.msk $0xffff, v2  }
0x186: {  	[tilespmem:v11+s10+$0x0] =	vst.idx.msk $0xffff, v8  }
0x187: {  	v8 =	vld.idx.msk [tilespmem:v9+s15+$0x0], $0xffff;
	_ =	sdelay $0x1  }
0x188: {  	v11 =	vand.u32 $0x3F80, v17  }
0x189: {  	v11 =	vor.u32 v10, v11  }
0x18a: {  	v12 =	vor.u32 v7, v12;
	_ =	sdelay $0x1  }
0x18b: {  	v8 =	vmul.f32 v8, v14  }
0x18c: {  	[tilespmem:v9+s15+$0x0] =	vst.idx.msk $0xffff, v2  }
0x18d: {  	[tilespmem:v11+s10+$0x0] =	vst.idx.msk $0xffff, v8  }
0x18e: {  	s26 =	sadd.s32 $0x2, s23;
	v8 =	vld.idx.msk [tilespmem:v12+s15+$0x0], $0xffff  }
0x18f: {  	v9 =	vadd.s32 s26, v0;
	[tilespmem:v12+s15+$0x0] =	vst.idx.msk $0xffff, v2  }
0x190: {  	v11 =	vand.u32 $0x5F80, v13;
	v12 =	vand.u32 $0x1FF, v9  }
0x191: {  	v10 =	vor.u32 v10, v11;
	v11 =	vshll.u32 v12, $0x4;
	v13 =	vor.u32 v1, v12  }
0x192: {  	v16 =	vor.u32 v4, v12;
	v15 =	vor.u32 v0, v11;
	v13 =	vand.u32 $0x1F80, v13  }
0x193: {  	v12 =	vor.u32 v6, v12;
	v16 =	vand.u32 $0x3F80, v16  }
0x194: {  	v8 =	vmul.f32 v8, v14;
	_ =	sdelay $0x1  }
0x195: {  	[tilespmem:v10+s10+$0x0] =	vst.idx.msk $0xffff, v8  }
0x196: {  	v8 =	vld.idx.msk [tilespmem:v15+s13+$0x0], $0xffff  }
0x197: {  	v10 =	vld.idx.msk [tilespmem:v15+s14+$0x0], $0xffff  }
0x198: {  	[tilespmem:v15+s13+$0x0] =	vst.idx.msk $0xffff, v2  }
0x199: {  	[tilespmem:v15+s14+$0x0] =	vst.idx.msk $0xffff, v2  }
0x19a: {  	v9 =	vand.u32 $0x7F, v9  }
0x19b: {  	v13 =	vor.u32 v9, v13;
	v14 =	vor.u32 v9, v16  }
0x19c: {  	v8 =	vmax.f32 v8, $9.999999970e-07  }
0x19d: {  	v10 =	vmin.f32 v10, $1.000000000e+00;
	(erf) = vrcp.f32 v8  }
0x19e: {  	v8 =	vsub.f32 $1.000000000e+00, v10;
	_ =	sdelay $0x1  }
0x19f: {  	[tilespmem:v13+s4+$0x0] =	vst.idx.msk $0xffff, v8  }
0x1a0: {  	v8 =	vld.idx.msk [tilespmem:v15+s15+$0x0], $0xffff  }
0x1a1: {  	[tilespmem:v15+s15+$0x0] =	vst.idx.msk $0xffff, v2;
	_ =	sdelay $0x2  }
0x1a2: {  	v10 =	vor.u32 v5, v11  }
0x1a3: {  	v15 =	vpop (erf)  }
0x1a4: {  	v8 =	vmul.f32 v8, v15;
	_ =	sdelay $0x1  }
0x1a5: {  	[tilespmem:v13+s10+$0x0] =	vst.idx.msk $0xffff, v8  }
0x1a6: {  	v8 =	vld.idx.msk [tilespmem:v10+s15+$0x0], $0xffff  }
0x1a7: {  	[tilespmem:v10+s15+$0x0] =	vst.idx.msk $0xffff, v2;
	_ =	sdelay $0x2  }
0x1a8: {  	v10 =	vor.u32 v7, v11;
	_ =	sdelay $0x1  }
0x1a9: {  	v8 =	vmul.f32 v8, v15;
	_ =	sdelay $0x1  }
0x1aa: {  	[tilespmem:v14+s10+$0x0] =	vst.idx.msk $0xffff, v8  }
0x1ab: {  	s26 =	sadd.s32 $0x3, s23;
	s23 =	smov.u32 s25;
	v8 =	vld.idx.msk [tilespmem:v10+s15+$0x0], $0xffff  }
0x1ac: {  	[tilespmem:v10+s15+$0x0] =	vst.idx.msk $0xffff, v2;
	v10 =	vadd.s32 s26, v0  }
0x1ad: {  	v11 =	vand.u32 $0x5F80, v12;
	v12 =	vand.u32 $0x1FF, v10  }
0x1ae: {  	v9 =	vor.u32 v9, v11;
	v11 =	vshll.u32 v12, $0x4;
	v13 =	vor.u32 v1, v12  }
0x1af: {  	v16 =	vor.u32 v4, v12;
	v14 =	vor.u32 v0, v11;
	v13 =	vand.u32 $0x1F80, v13  }
0x1b0: {  	v17 =	vor.u32 v6, v12  }
0x1b1: {  	v8 =	vmul.f32 v8, v15;
	_ =	sdelay $0x1  }
0x1b2: {  	[tilespmem:v9+s10+$0x0] =	vst.idx.msk $0xffff, v8  }
0x1b3: {  	v8 =	vld.idx.msk [tilespmem:v14+s13+$0x0], $0xffff  }
0x1b4: {  	v9 =	vld.idx.msk [tilespmem:v14+s14+$0x0], $0xffff  }
0x1b5: {  	[tilespmem:v14+s13+$0x0] =	vst.idx.msk $0xffff, v2  }
0x1b6: {  	[tilespmem:v14+s14+$0x0] =	vst.idx.msk $0xffff, v2  }
0x1b7: {  	v10 =	vand.u32 $0x7F, v10  }
0x1b8: {  	v12 =	vor.u32 v10, v13  }
0x1b9: {  	v8 =	vmax.f32 v8, $9.999999970e-07  }
0x1ba: {  	v9 =	vmin.f32 v9, $1.000000000e+00;
	(erf) = vrcp.f32 v8  }
0x1bb: {  	v8 =	vsub.f32 $1.000000000e+00, v9;
	_ =	sdelay $0x1  }
0x1bc: {  	[tilespmem:v12+s4+$0x0] =	vst.idx.msk $0xffff, v8  }
0x1bd: {  	v8 =	vld.idx.msk [tilespmem:v14+s15+$0x0], $0xffff  }
0x1be: {  	[tilespmem:v14+s15+$0x0] =	vst.idx.msk $0xffff, v2;
	_ =	sdelay $0x2  }
0x1bf: {  	v9 =	vor.u32 v5, v11  }
0x1c0: {  	v15 =	vpop (erf)  }
0x1c1: {  	v8 =	vmul.f32 v8, v15;
	_ =	sdelay $0x1  }
0x1c2: {  	[tilespmem:v12+s10+$0x0] =	vst.idx.msk $0xffff, v8  }
0x1c3: {  	v8 =	vld.idx.msk [tilespmem:v9+s15+$0x0], $0xffff  }
0x1c4: {  	[tilespmem:v9+s15+$0x0] =	vst.idx.msk $0xffff, v2  }
0x1c5: {  	v9 =	vand.u32 $0x3F80, v16  }
0x1c6: {  	v9 =	vor.u32 v10, v9  }
0x1c7: {  	v11 =	vor.u32 v7, v11;
	_ =	sdelay $0x1  }
0x1c8: {  	v8 =	vmul.f32 v8, v15;
	_ =	sdelay $0x1  }
0x1c9: {  	[tilespmem:v9+s10+$0x0] =	vst.idx.msk $0xffff, v8  }
0x1ca: {  	v16 =	vld.idx.msk [tilespmem:v11+s15+$0x0], $0xffff  }
0x1cb: {  	v12 =	vadd.s32 s23, v0;
	v8 =	vand.u32 $0x5F80, v17;
	[tilespmem:v11+s15+$0x0] =	vst.idx.msk $0xffff, v2  }
.Ltmp2:
0x1cc: {  	v17 =	vand.u32 $0x1FF, v12;
	v14 =	vor.u32 v10, v8;
	(pc) =	sbr.rel @p0 .LBB2_7-.Ltmp2, $3  }
0x1cd: {  	v9 =	vshll.u32 v17, $0x4;
	v8 =	vor.u32 v1, v17;
	v10 =	vor.u32 v4, v17  }
0x1ce: {  	v11 =	vor.u32 v0, v9;
	v13 =	vand.u32 $0x1F80, v8;
	v8 =	vor.u32 v6, v17;
	_ =	sdelay $0x1  }
0x1cf: {  	v15 =	vmul.f32 v16, v15  }
0x1d0: {  	_ =	sdelay $0x3  }
0x1d1: {  	[tilespmem:v14+s10+$0x0] =	vst.idx.msk $0xffff, v15  }
0x1d2: {  	v14 =	vld.idx.msk [tilespmem:v11+s13+$0x0], $0xffff;
	_ =	sdelay $0x1  }
0x1d3: {  	v15 =	vld.idx.msk [tilespmem:v11+s14+$0x0], $0xffff;
	_ =	sdelay $0x1  }
0x1d4: {  	v12 =	vand.u32 $0x7F, v12  }
0x1d5: {  	v13 =	vor.u32 v12, v13;
	v14 =	vmax.f32 v14, $9.999999970e-07  }
0x1d6: {  	(erf) = vrcp.f32 v14  }
0x1d7: {  	v40 =	vmin.f32 v15, $1.000000000e+00  }
0x1d8: {  	[tilespmem:v11+s13+$0x0] =	vst.idx.msk $0xffff, v2;
	v14 =	vsub.f32 $1.000000000e+00, v40  }
0x1d9: {  	[tilespmem:v11+s14+$0x0] =	vst.idx.msk $0xffff, v2  }
0x1da: {  	[tilespmem:v13+s4+$0x0] =	vst.idx.msk $0xffff, v14  }
0x1db: {  	v14 =	vld.idx.msk [tilespmem:v11+s15+$0x0], $0xffff;
	_ =	sdelay $0x2  }
0x1dc: {  	v41 =	vor.u32 v5, v9  }
0x1dd: {  	v16 =	vpop (erf)  }
0x1de: {  	v14 =	vmul.f32 v14, v16  }
0x1df: {  	[tilespmem:v11+s15+$0x0] =	vst.idx.msk $0xffff, v2  }
0x1e0: {  	[tilespmem:v13+s10+$0x0] =	vst.idx.msk $0xffff, v14  }
0x1e1: {  	v11 =	vld.idx.msk [tilespmem:v41+s15+$0x0], $0xffff  }
0x1e2: {  	v10 =	vand.u32 $0x3F80, v10  }
0x1e3: {  	v10 =	vor.u32 v12, v10  }
0x1e4: {  	v42 =	vor.u32 v7, v9;
	_ =	sdelay $0x1  }
0x1e5: {  	v11 =	vmul.f32 v11, v16  }
0x1e6: {  	[tilespmem:v41+s15+$0x0] =	vst.idx.msk $0xffff, v2  }
0x1e7: {  	s24 =	sadd.s32 $0x1, s23;
	[tilespmem:v10+s10+$0x0] =	vst.idx.msk $0xffff, v11  }
0x1e8: {  	v43 =	vadd.s32 s24, v0;
	v10 =	vld.idx.msk [tilespmem:v42+s15+$0x0], $0xffff  }
0x1e9: {  	v8 =	vand.u32 $0x5F80, v8;
	v44 =	vand.u32 $0x1FF, v43  }
0x1ea: {  	v8 =	vor.u32 v12, v8;
	v45 =	vshll.u32 v44, $0x4  }
0x1eb: {  	v46 =	vor.u32 v0, v45;
	_ =	sdelay $0x1  }
0x1ec: {  	v10 =	vmul.f32 v10, v16  }
0x1ed: {  	[tilespmem:v42+s15+$0x0] =	vst.idx.msk $0xffff, v2  }
0x1ee: {  	[tilespmem:v8+s10+$0x0] =	vst.idx.msk $0xffff, v10  }
0x1ef: {  	v8 =	vld.idx.msk [tilespmem:v46+s13+$0x0], $0xffff;
	_ =	sdelay $0x1  }
0x1f0: {  	v9 =	vld.idx.msk [tilespmem:v46+s14+$0x0], $0xffff  }
0x1f1: {  	v47 =	vor.u32 v1, v44  }
0x1f2: {  	v11 =	vand.u32 $0x7F, v43;
	v10 =	vand.u32 $0x1F80, v47  }
0x1f3: {  	v10 =	vor.u32 v11, v10;
	v8 =	vmax.f32 v8, $9.999999970e-07  }
0x1f4: {  	(erf) = vrcp.f32 v8  }
0x1f5: {  	v8 =	vmin.f32 v9, $1.000000000e+00  }
0x1f6: {  	[tilespmem:v46+s13+$0x0] =	vst.idx.msk $0xffff, v2;
	v8 =	vsub.f32 $1.000000000e+00, v8  }
0x1f7: {  	[tilespmem:v46+s14+$0x0] =	vst.idx.msk $0xffff, v2  }
0x1f8: {  	[tilespmem:v10+s4+$0x0] =	vst.idx.msk $0xffff, v8  }
0x1f9: {  	v8 =	vld.idx.msk [tilespmem:v46+s15+$0x0], $0xffff;
	_ =	sdelay $0x2  }
0x1fa: {  	v48 =	vor.u32 v5, v45  }
0x1fb: {  	v49 =	vpop (erf)  }
0x1fc: {  	v8 =	vmul.f32 v8, v49  }
0x1fd: {  	[tilespmem:v46+s15+$0x0] =	vst.idx.msk $0xffff, v2  }
0x1fe: {  	[tilespmem:v10+s10+$0x0] =	vst.idx.msk $0xffff, v8  }
0x1ff: {  	v8 =	vor.u32 v4, v44;
	v10 =	vld.idx.msk [tilespmem:v48+s15+$0x0], $0xffff  }
0x200: {  	v8 =	vand.u32 $0x3F80, v8  }
0x201: {  	v8 =	vor.u32 v11, v8  }
0x202: {  	v12 =	vor.u32 v7, v45;
	_ =	sdelay $0x1  }
0x203: {  	v10 =	vmul.f32 v10, v49  }
0x204: {  	[tilespmem:v48+s15+$0x0] =	vst.idx.msk $0xffff, v2  }
0x205: {  	s26 =	sadd.s32 $0x2, s23;
	[tilespmem:v8+s10+$0x0] =	vst.idx.msk $0xffff, v10  }
0x206: {  	v50 =	vadd.s32 s26, v0;
	v8 =	vor.u32 v6, v44;
	v9 =	vld.idx.msk [tilespmem:v12+s15+$0x0], $0xffff  }
0x207: {  	v51 =	vand.u32 $0x1FF, v50;
	v8 =	vand.u32 $0x5F80, v8  }
0x208: {  	v52 =	vshll.u32 v51, $0x4;
	v8 =	vor.u32 v11, v8  }
0x209: {  	v53 =	vor.u32 v0, v52;
	_ =	sdelay $0x1  }
0x20a: {  	v9 =	vmul.f32 v9, v49  }
0x20b: {  	[tilespmem:v12+s15+$0x0] =	vst.idx.msk $0xffff, v2  }
0x20c: {  	[tilespmem:v8+s10+$0x0] =	vst.idx.msk $0xffff, v9  }
0x20d: {  	v8 =	vld.idx.msk [tilespmem:v53+s13+$0x0], $0xffff;
	_ =	sdelay $0x1  }
0x20e: {  	v9 =	vld.idx.msk [tilespmem:v53+s14+$0x0], $0xffff  }
0x20f: {  	v54 =	vor.u32 v1, v51  }
0x210: {  	v10 =	vand.u32 $0x7F, v50;
	v12 =	vand.u32 $0x1F80, v54  }
0x211: {  	v12 =	vor.u32 v10, v12;
	v8 =	vmax.f32 v8, $9.999999970e-07  }
0x212: {  	(erf) = vrcp.f32 v8  }
0x213: {  	v8 =	vmin.f32 v9, $1.000000000e+00  }
0x214: {  	[tilespmem:v53+s13+$0x0] =	vst.idx.msk $0xffff, v2;
	v8 =	vsub.f32 $1.000000000e+00, v8  }
0x215: {  	[tilespmem:v53+s14+$0x0] =	vst.idx.msk $0xffff, v2  }
0x216: {  	[tilespmem:v12+s4+$0x0] =	vst.idx.msk $0xffff, v8  }
0x217: {  	v8 =	vld.idx.msk [tilespmem:v53+s15+$0x0], $0xffff;
	_ =	sdelay $0x2  }
0x218: {  	v55 =	vor.u32 v5, v52  }
0x219: {  	v56 =	vpop (erf)  }
0x21a: {  	v8 =	vmul.f32 v8, v56  }
0x21b: {  	[tilespmem:v53+s15+$0x0] =	vst.idx.msk $0xffff, v2  }
0x21c: {  	[tilespmem:v12+s10+$0x0] =	vst.idx.msk $0xffff, v8  }
0x21d: {  	v8 =	vor.u32 v4, v51;
	v12 =	vld.idx.msk [tilespmem:v55+s15+$0x0], $0xffff  }
0x21e: {  	v8 =	vand.u32 $0x3F80, v8  }
0x21f: {  	v8 =	vor.u32 v10, v8  }
0x220: {  	v11 =	vor.u32 v7, v52;
	_ =	sdelay $0x1  }
0x221: {  	v12 =	vmul.f32 v12, v56  }
0x222: {  	[tilespmem:v55+s15+$0x0] =	vst.idx.msk $0xffff, v2  }
0x223: {  	s28 =	sadd.s32 $0x3, s23;
	[tilespmem:v8+s10+$0x0] =	vst.idx.msk $0xffff, v12  }
0x224: {  	v57 =	vadd.s32 s28, v0;
	v8 =	vor.u32 v6, v51;
	v9 =	vld.idx.msk [tilespmem:v11+s15+$0x0], $0xffff  }
0x225: {  	v58 =	vand.u32 $0x1FF, v57;
	v8 =	vand.u32 $0x5F80, v8  }
0x226: {  	v59 =	vshll.u32 v58, $0x4;
	v8 =	vor.u32 v10, v8  }
0x227: {  	v60 =	vor.u32 v0, v59;
	_ =	sdelay $0x1  }
0x228: {  	v9 =	vmul.f32 v9, v56  }
0x229: {  	[tilespmem:v11+s15+$0x0] =	vst.idx.msk $0xffff, v2  }
0x22a: {  	[tilespmem:v8+s10+$0x0] =	vst.idx.msk $0xffff, v9  }
0x22b: {  	v8 =	vld.idx.msk [tilespmem:v60+s13+$0x0], $0xffff;
	_ =	sdelay $0x1  }
0x22c: {  	v9 =	vld.idx.msk [tilespmem:v60+s14+$0x0], $0xffff  }
0x22d: {  	v61 =	vor.u32 v1, v58  }
0x22e: {  	v12 =	vand.u32 $0x7F, v57;
	v11 =	vand.u32 $0x1F80, v61  }
0x22f: {  	v11 =	vor.u32 v12, v11;
	v8 =	vmax.f32 v8, $9.999999970e-07  }
0x230: {  	(erf) = vrcp.f32 v8  }
0x231: {  	v8 =	vmin.f32 v9, $1.000000000e+00  }
0x232: {  	[tilespmem:v60+s13+$0x0] =	vst.idx.msk $0xffff, v2;
	v8 =	vsub.f32 $1.000000000e+00, v8  }
0x233: {  	[tilespmem:v60+s14+$0x0] =	vst.idx.msk $0xffff, v2  }
0x234: {  	[tilespmem:v11+s4+$0x0] =	vst.idx.msk $0xffff, v8  }
0x235: {  	v8 =	vld.idx.msk [tilespmem:v60+s15+$0x0], $0xffff;
	_ =	sdelay $0x2  }
0x236: {  	v62 =	vor.u32 v5, v59  }
0x237: {  	v63 =	vpop (erf)  }
0x238: {  	v8 =	vmul.f32 v8, v63  }
0x239: {  	[tilespmem:v60+s15+$0x0] =	vst.idx.msk $0xffff, v2  }
0x23a: {  	[tilespmem:v11+s10+$0x0] =	vst.idx.msk $0xffff, v8  }
0x23b: {  	v8 =	vor.u32 v4, v58;
	v11 =	vld.idx.msk [tilespmem:v62+s15+$0x0], $0xffff  }
0x23c: {  	v8 =	vand.u32 $0x3F80, v8  }
0x23d: {  	v8 =	vor.u32 v12, v8  }
0x23e: {  	v10 =	vor.u32 v7, v59;
	_ =	sdelay $0x1  }
0x23f: {  	v11 =	vmul.f32 v11, v63  }
0x240: {  	[tilespmem:v62+s15+$0x0] =	vst.idx.msk $0xffff, v2  }
0x241: {  	[tilespmem:v8+s10+$0x0] =	vst.idx.msk $0xffff, v11  }
0x242: {  	v8 =	vor.u32 v6, v58;
	v9 =	vld.idx.msk [tilespmem:v10+s15+$0x0], $0xffff  }
0x243: {  	v8 =	vand.u32 $0x5F80, v8  }
0x244: {  	v8 =	vor.u32 v12, v8;
	_ =	sdelay $0x2  }
0x245: {  	v9 =	vmul.f32 v9, v63  }
0x246: {  	[tilespmem:v10+s15+$0x0] =	vst.idx.msk $0xffff, v2  }
0x247: {  	s19 =	sadd.s32 s6, s19;
	[tilespmem:v8+s10+$0x0] =	vst.idx.msk $0xffff, v9  }
0x248: {  	[hbm4b:s19+s4] =	stream.linear.scatter [tilespmem:s4], [sflag:$0x1], $0x2000, $0x38;
	[tilespmem:$0x12000] =	vst v63  }
0x249: {  	_ =	swait.ge [sflag:s9], $0x2000  }
0x24a: {  	[sflag:s9] =	ssyncset.done $0x0  }
0x24b: {  	s29 =	sadd.s32 s5, s20;
	[sflag:s9] =	ssyncadd.s32 $0xFFFFE000  }
0x24c: {  	[hbm4b:s29+s4] =	stream.linear.scatter [tilespmem:s10], [sflag:$0x1], $0x2000, $0x38;
	[tilespmem:$0x12000] =	vst v63  }
0x24d: {  	_ =	swait.ge [sflag:s9], $0x2000  }
0x24e: {  	[sflag:s9] =	ssyncset.done $0x0  }
0x24f: {  	s30 =	sadd.s32 s5, s21;
	[sflag:s9] =	ssyncadd.s32 $0xFFFFE000  }
0x250: {  	[hbm4b:s30+s4] =	stream.linear.scatter [tilespmem:s11], [sflag:$0x1], $0x2000, $0x38;
	[tilespmem:$0x12000] =	vst v63  }
0x251: {  	s18 =	sadd.s32 $0x1, s18;
	_ =	swait.ge [sflag:s9], $0x2000  }
0x252: {  	p0 =	sne.s32 s18, $0x6;
	[sflag:s9] =	ssyncset.done $0x0  }
.Ltmp3:
0x253: {  	s31 =	sadd.s32 s5, s22;
	[sflag:s9] =	ssyncadd.s32 $0xFFFFE000;
	(pc) =	sbr.rel @p0 .LBB2_4-.Ltmp3, $4  }
0x254: {  	[hbm4b:s31+s4] =	stream.linear.scatter [tilespmem:s12], [sflag:$0x1], $0x2000, $0x38;
	[tilespmem:$0x12000] =	vst v63  }
0x255: {  	_ =	swait.ge [sflag:s9], $0x2000  }
0x256: {  	[sflag:s9] =	ssyncset.done $0x0  }
0x257: {  	[sflag:s9] =	ssyncadd.s32 $0xFFFFE000  }
0x258: {  	s16 =	sadd.s32 $0x1, s16  }
0x259: {  	p0 =	sne.s32 s16, s8  }
.Ltmp4:
0x25a: {  	_ = 	snop;
	(pc) =	sbr.rel @p0 .LBB2_1-.Ltmp4, $1  }
0x25b: {  	_ =	sdelay $0x3  }
0x25c: {  	_ =	sfence.sel $0x180000  }
0x25d: {  	[bflag:$0x0] =	sbarrier.arrive $0xFFFF  }
0x25e: {  	p0 =	sne.s32 s3, $0x0;
	_ =	strace $0x90000047  }
0x25f: {  	s0 =	sadd.s32 @!p0 $0x100000, s0;
	[bflag:$0x2] =	sbarrier.arrive $0xFFFF  }
0x260: {  	[sflag:s0] =	ssyncadd.tile.s32 @!p0 $0x1;
	_ =	shalt  }
.Lfunc_end2:
_tile_overlayer_lowered:
.L_overlay_start_2:
0x261: {  	(tag) =	ssettag $0x2  }
0x262: {  	s0 =	rddreg [dreg:$0x0];
	s2 =	stileid.u32  }
0x263: {  	s1 =	rddreg [dreg:$0x1];
	p0 =	sne.s32 s2, $0x0  }
0x264: {  	s3 =	rddreg [dreg:$0x2];
	[bflag:$0x3] =	sbarrier.arrive $0xFFFF;
	s2 =	simm.s32 @!p0 $0x1C01  }
0x265: {  	[timem:s3], [sflag:s2] =	dma.local @!p0 [hbm:s0], s1  }
0x266: {  	s0 =	simm.s32 @!p0 $0x1  }
0x267: {  	_ =	swait.ge @!p0 [sflag:s0], s1  }
0x268: {  	s1 =	ssub.s32 @!p0 $0x0, s1;
	[sflag:s0] =	ssyncset.done @!p0 $0x0  }
0x269: {  	[sflag:s0] =	ssyncadd.s32 @!p0 s1  }
0x26a: {  	[bflag:$0x3] =	sbarrier.arrive $0xFFFF  }
0x26b: {  	_ =	shalt  }

</sc_bundles>
